<compile_context>
chip_gen: v7x
topology: tpu7x:2x2x1
jax: 0.10.2.dev20260603
libtpu: 0.0.44.dev20260713+nightly
codegen_flags: <defaults>
</compile_context>

<pallas_src>
import jax
import jax.numpy as jnp
from jax.experimental import pallas as pl

_K = 20
_VLAD_K = 50
_N_ITER = 10


def _labels_body(f_ref, cb_ref, f2_ref, c2_ref, lab_ref, cnt_ref):
    f = f_ref[...]
    cb = cb_ref[...]
    n = f.shape[0]
    mm = jax.lax.dot_general(
        f, cb, (((1,), (1,)), ((), ())),
        preferred_element_type=jnp.float32)
    d = (f2_ref[...] - 2.0 * mm) + c2_ref[...]
    lab = jnp.argmin(d, axis=1, keepdims=True).astype(jnp.int32)
    lab_ref[...] = lab
    k_iota = jax.lax.broadcasted_iota(jnp.int32, (n, _K), 1)
    onehot = (lab == k_iota).astype(jnp.float32)
    cnt_ref[...] = jnp.sum(onehot, axis=0, keepdims=True)


def _pallas_assign(feature, cents, f2):
    n, dd = feature.shape
    cb = cents.astype(jnp.bfloat16)
    c2 = jnp.sum(cents * cents, axis=1)
    labels, counts = pl.pallas_call(
        _labels_body,
        out_shape=(jax.ShapeDtypeStruct((n, 1), jnp.int32),
                   jax.ShapeDtypeStruct((1, _K), jnp.float32)),
    )(feature, cb, f2[:, None], c2[None, :])
    return labels[:, 0], counts[0]


def _vlad_one(y_i):
    n = y_i.shape[0]
    f2 = jnp.sum(y_i * y_i, axis=1)
    cents0 = y_i[:_K]

    def step(cents, _):
        labels, counts = _pallas_assign(y_i, cents, f2)
        sums = jax.ops.segment_sum(y_i, labels, num_segments=_K)
        new = jnp.where(counts[:, None] > 0,
                        sums / jnp.maximum(counts, 1.0)[:, None],
                        cents)
        return new, None

    cents, _ = jax.lax.scan(step, cents0, None, length=_N_ITER)
    labels, _ = _pallas_assign(y_i, cents, f2)
    resid = y_i - cents[labels]
    out = jnp.zeros((_VLAD_K, y_i.shape[1]), y_i.dtype).at[labels].add(resid)
    return out


def kernel(x):
    b, c, h, w = x.shape
    y = x.reshape(b, c, h * w)
    return jax.vmap(_vlad_one)(y)

# --- scband reference (transcript-rebuilt; emitter-appended) ---
"""Pipeline reference for scband-vlad-47021301957418 (READ-ONLY COPY).

The authoritative reference and input builder live on the scoring server;
editing this copy changes nothing except your own understanding.
"""

import jax, jax.numpy as jnp
import numpy as np

K_CLUSTERS = 20   # n_clusters passed to KMeans in __init__
VLAD_K = 50       # self.k = 50 hardcoded in original module (bug preserved)
N_ITER = 10       # Lloyd iterations standing in for sklearn KMeans.fit


def _assign(feature, cents):
    # squared euclidean distances via ||f||^2 - 2 f c^T + ||c||^2
    f2 = jnp.sum(feature * feature, axis=1, keepdims=True)          # [N,1]
    c2 = jnp.sum(cents * cents, axis=1)                              # [k]
    d = f2 - 2.0 * (feature @ cents.T) + c2[None, :]                 # [N,k]
    return jnp.argmin(d, axis=1)


def _kmeans(feature, k, n_iter):
    # feature: [N, D]; deterministic init from first k points
    n = feature.shape[0]
    cents0 = feature[:k]

    def step(cents, _):
        labels = _assign(feature, cents)
        sums = jax.ops.segment_sum(feature, labels, num_segments=k)
        counts = jax.ops.segment_sum(jnp.ones((n,), feature.dtype), labels, num_segments=k)
        new = jnp.where(counts[:, None] > 0,
                        sums / jnp.maximum(counts, 1.0)[:, None],
                        cents)
        return new, None

    cents, _ = jax.lax.scan(step, cents0, None, length=n_iter)
    labels = _assign(feature, cents)
    return cents, labels


def _vlad_single(y_i):
    # y_i: [C, HW] -- C samples of dim HW, matching original per-batch kmeans fit
    cents, labels = _kmeans(y_i, K_CLUSTERS, N_ITER)
    resid = y_i - cents[labels]                                      # [C, HW]
    # original inner loop: vladres[i, label] += feature[j] - clusters[label]
    out = jnp.zeros((VLAD_K, y_i.shape[1]), y_i.dtype).at[labels].add(resid)
    return out


def reference(x):
    b, c, h, w = x.shape
    y = x.reshape(b, c, h * w)
    return jax.vmap(_vlad_single)(y)                                 # [B, 50, H*W]


def setup_inputs(seed: int = 0):
    key = jax.random.key(seed)
    x = jax.random.normal(key, (4, 768, 24, 24), dtype=jnp.float32)
    return {"x": x}

if __name__ == "__main__":
    import jax
    _d = setup_inputs()
    print(jax.jit(kernel)(*tuple(_d.values())))

</pallas_src>

<mosaic_0001>
module attributes {stable_mosaic.version = 14 : i64} {
  func.func @_labels_body(%arg0: i32, %arg1: memref<1x768x576xf32, #tpu.memory_space<vmem>>, %arg2: memref<1x20x576xbf16, #tpu.memory_space<vmem>>, %arg3: memref<1x768x1xf32, #tpu.memory_space<vmem>>, %arg4: memref<1x1x20xf32, #tpu.memory_space<vmem>>, %arg5: memref<1x768x1xi32, #tpu.memory_space<vmem>>, %arg6: memref<1x1x20xf32, #tpu.memory_space<vmem>>) attributes {dimension_semantics = [#tpu.dimension_semantics<parallel>], iteration_bounds = array<i64: 4>, scalar_prefetch = 0 : i64, scratch_operands = 0 : i64, tpu.core_type = #tpu.core_type<tc>, window_params = [{transform_indices = @transform_0, window_bounds = array<i64: 1, 768, 576>}, {transform_indices = @transform_1, window_bounds = array<i64: 1, 20, 576>}, {transform_indices = @transform_2, window_bounds = array<i64: 1, 768, 1>}, {transform_indices = @transform_3, window_bounds = array<i64: 1, 1, 20>}, {transform_indices = @transform_4, window_bounds = array<i64: 1, 768, 1>}, {transform_indices = @transform_5, window_bounds = array<i64: 1, 1, 20>}]} {
    %get3A = arith.constant 0 : index
    %get3A_0 = arith.constant 0 : index
    %get3A_1 = arith.constant 0 : index
    %get3A_2 = vector.load %arg1[%get3A, %get3A_0, %get3A_1] : memref<1x768x576xf32, #tpu.memory_space<vmem>>, vector<1x768x576xf32>
    %get3A_3 = vector.shape_cast %get3A_2 : vector<1x768x576xf32> to vector<768x576xf32>
    %get3A_4 = arith.constant 0 : index
    %get3A_5 = arith.constant 0 : index
    %get3A_6 = arith.constant 0 : index
    %get3A_7 = vector.load %arg2[%get3A_4, %get3A_5, %get3A_6] : memref<1x20x576xbf16, #tpu.memory_space<vmem>>, vector<1x20x576xbf16>
    %get3A_8 = vector.shape_cast %get3A_7 : vector<1x20x576xbf16> to vector<20x576xbf16>
    %dot_general3A = arith.constant dense<0.000000e+00> : vector<768x20xf32>
    %dot_general3A_9 = tpu.matmul %get3A_3, %get3A_8, %dot_general3A {dimension_numbers = #tpu.dot_dimension_numbers<[1], [1], [0], [0], [0, 0, 1, 0], [], []>, transpose_lhs_hint = false} : vector<768x576xf32>, vector<20x576xbf16>, vector<768x20xf32> -> vector<768x20xf32>
    %get3A_10 = arith.constant 0 : index
    %get3A_11 = arith.constant 0 : index
    %get3A_12 = arith.constant 0 : index
    %get3A_13 = vector.load %arg3[%get3A_10, %get3A_11, %get3A_12] : memref<1x768x1xf32, #tpu.memory_space<vmem>>, vector<1x768x1xf32>
    %get3A_14 = vector.shape_cast %get3A_13 : vector<1x768x1xf32> to vector<768x1xf32>
    %mul3A = arith.constant 2.000000e+00 : f32
    %mul3A_15 = vector.broadcast %mul3A : f32 to vector<768x20xf32>
    %mul3A_16 = arith.mulf %mul3A_15, %dot_general3A_9 : vector<768x20xf32>
    %sub3A = vector.broadcast %get3A_14 : vector<768x1xf32> to vector<768x20xf32>
    %sub3A_17 = arith.subf %sub3A, %mul3A_16 : vector<768x20xf32>
    %get3A_18 = arith.constant 0 : index
    %get3A_19 = arith.constant 0 : index
    %get3A_20 = arith.constant 0 : index
    %get3A_21 = vector.load %arg4[%get3A_18, %get3A_19, %get3A_20] : memref<1x1x20xf32, #tpu.memory_space<vmem>>, vector<1x1x20xf32>
    %get3A_22 = vector.shape_cast %get3A_21 : vector<1x1x20xf32> to vector<1x20xf32>
    %add3A = vector.broadcast %get3A_22 : vector<1x20xf32> to vector<768x20xf32>
    %add3A_23 = arith.addf %sub3A_17, %add3A : vector<768x20xf32>
    %argmin3A = tpu.reduce_index %add3A_23 {axis = 1 : i32, kind = #tpu.reduction_kind<arg_min>} : vector<768x20xf32> -> vector<768xi32>
    %broadcast_in_dim3A = vector.shape_cast %argmin3A : vector<768xi32> to vector<768x1xi32>
    %swap3A = arith.constant 0 : index
    %swap3A_24 = arith.constant 0 : index
    %swap3A_25 = arith.constant 0 : index
    %swap3A_26 = vector.load %arg5[%swap3A, %swap3A_24, %swap3A_25] : memref<1x768x1xi32, #tpu.memory_space<vmem>>, vector<1x768x1xi32>
    %swap3A_27 = vector.shape_cast %swap3A_26 : vector<1x768x1xi32> to vector<768x1xi32>
    %swap3A_28 = vector.shape_cast %broadcast_in_dim3A : vector<768x1xi32> to vector<1x768x1xi32>
    tpu.vector_store %arg5[%swap3A, %swap3A_24, %swap3A_25], %swap3A_28 {strides = array<i32>} : memref<1x768x1xi32, #tpu.memory_space<vmem>>, vector<1x768x1xi32>,
    %iota3A = tpu.iota {dimensions = array<i32: 1>} : vector<768x20xi32>
    %eq3A = vector.broadcast %broadcast_in_dim3A : vector<768x1xi32> to vector<768x20xi32>
    %eq3A_29 = arith.cmpi eq, %eq3A, %iota3A : vector<768x20xi32>
    %convert_element_type3A = arith.extui %eq3A_29 : vector<768x20xi1> to vector<768x20xi32>
    %convert_element_type3A_30 = arith.sitofp %convert_element_type3A : vector<768x20xi32> to vector<768x20xf32>
    %reduce_sum3A = arith.constant dense<0.000000e+00> : vector<20xf32>
    %reduce_sum3A_31 = vector.multi_reduction <add>, %convert_element_type3A_30, %reduce_sum3A [0] : vector<768x20xf32> to vector<20xf32>
    %broadcast_in_dim3A_32 = vector.shape_cast %reduce_sum3A_31 : vector<20xf32> to vector<1x20xf32>
    %swap3A_33 = arith.constant 0 : index
    %swap3A_34 = arith.constant 0 : index
    %swap3A_35 = arith.constant 0 : index
    %swap3A_36 = vector.load %arg6[%swap3A_33, %swap3A_34, %swap3A_35] : memref<1x1x20xf32, #tpu.memory_space<vmem>>, vector<1x1x20xf32>
    %swap3A_37 = vector.shape_cast %swap3A_36 : vector<1x1x20xf32> to vector<1x20xf32>
    %swap3A_38 = vector.shape_cast %broadcast_in_dim3A_32 : vector<1x20xf32> to vector<1x1x20xf32>
    tpu.vector_store %arg6[%swap3A_33, %swap3A_34, %swap3A_35], %swap3A_38 {strides = array<i32>} : memref<1x1x20xf32, #tpu.memory_space<vmem>>, vector<1x1x20xf32>,
    return
  }
  func.func @transform_0(%arg0: i32) -> (i32, i32, i32) {
    %c0_i32 = arith.constant 0 : i32
    %c0_i32_0 = arith.constant 0 : i32
    %c0_i32_1 = arith.constant 0 : i32
    return %arg0, %c0_i32, %c0_i32_0 : i32, i32, i32
  }
  func.func @transform_1(%arg0: i32) -> (i32, i32, i32) {
    %c0_i32 = arith.constant 0 : i32
    %c0_i32_0 = arith.constant 0 : i32
    %c0_i32_1 = arith.constant 0 : i32
    return %arg0, %c0_i32, %c0_i32_0 : i32, i32, i32
  }
  func.func @transform_2(%arg0: i32) -> (i32, i32, i32) {
    %c0_i32 = arith.constant 0 : i32
    %c0_i32_0 = arith.constant 0 : i32
    %c0_i32_1 = arith.constant 0 : i32
    return %arg0, %c0_i32, %c0_i32_0 : i32, i32, i32
  }
  func.func @transform_3(%arg0: i32) -> (i32, i32, i32) {
    %c0_i32 = arith.constant 0 : i32
    %c0_i32_0 = arith.constant 0 : i32
    %c0_i32_1 = arith.constant 0 : i32
    return %arg0, %c0_i32, %c0_i32_0 : i32, i32, i32
  }
  func.func @transform_4(%arg0: i32) -> (i32, i32, i32) {
    %c0_i32 = arith.constant 0 : i32
    %c0_i32_0 = arith.constant 0 : i32
    %c0_i32_1 = arith.constant 0 : i32
    return %arg0, %c0_i32, %c0_i32_0 : i32, i32, i32
  }
  func.func @transform_5(%arg0: i32) -> (i32, i32, i32) {
    %c0_i32 = arith.constant 0 : i32
    %c0_i32_0 = arith.constant 0 : i32
    %c0_i32_1 = arith.constant 0 : i32
    return %arg0, %c0_i32, %c0_i32_0 : i32, i32, i32
  }
}

module attributes {stable_mosaic.version = 14 : i64} {
  func.func @_labels_body(%arg0: i32, %arg1: memref<1x768x576xf32, #tpu.memory_space<vmem>>, %arg2: memref<1x20x576xbf16, #tpu.memory_space<vmem>>, %arg3: memref<1x768x1xf32, #tpu.memory_space<vmem>>, %arg4: memref<1x1x20xf32, #tpu.memory_space<vmem>>, %arg5: memref<1x768x1xi32, #tpu.memory_space<vmem>>, %arg6: memref<1x1x20xf32, #tpu.memory_space<vmem>>) attributes {dimension_semantics = [#tpu.dimension_semantics<parallel>], iteration_bounds = array<i64: 4>, scalar_prefetch = 0 : i64, scratch_operands = 0 : i64, tpu.core_type = #tpu.core_type<tc>, window_params = [{transform_indices = @transform_0, window_bounds = array<i64: 1, 768, 576>}, {transform_indices = @transform_1, window_bounds = array<i64: 1, 20, 576>}, {transform_indices = @transform_2, window_bounds = array<i64: 1, 768, 1>}, {transform_indices = @transform_3, window_bounds = array<i64: 1, 1, 20>}, {transform_indices = @transform_4, window_bounds = array<i64: 1, 768, 1>}, {transform_indices = @transform_5, window_bounds = array<i64: 1, 1, 20>}]} {
    %get3A = arith.constant 0 : index
    %get3A_0 = arith.constant 0 : index
    %get3A_1 = arith.constant 0 : index
    %get3A_2 = vector.load %arg1[%get3A, %get3A_0, %get3A_1] : memref<1x768x576xf32, #tpu.memory_space<vmem>>, vector<1x768x576xf32>
    %get3A_3 = vector.shape_cast %get3A_2 : vector<1x768x576xf32> to vector<768x576xf32>
    %get3A_4 = arith.constant 0 : index
    %get3A_5 = arith.constant 0 : index
    %get3A_6 = arith.constant 0 : index
    %get3A_7 = vector.load %arg2[%get3A_4, %get3A_5, %get3A_6] : memref<1x20x576xbf16, #tpu.memory_space<vmem>>, vector<1x20x576xbf16>
    %get3A_8 = vector.shape_cast %get3A_7 : vector<1x20x576xbf16> to vector<20x576xbf16>
    %dot_general3A = arith.constant dense<0.000000e+00> : vector<768x20xf32>
    %dot_general3A_9 = tpu.matmul %get3A_3, %get3A_8, %dot_general3A {dimension_numbers = #tpu.dot_dimension_numbers<[1], [1], [0], [0], [0, 0, 1, 0], [], []>, transpose_lhs_hint = false} : vector<768x576xf32>, vector<20x576xbf16>, vector<768x20xf32> -> vector<768x20xf32>
    %get3A_10 = arith.constant 0 : index
    %get3A_11 = arith.constant 0 : index
    %get3A_12 = arith.constant 0 : index
    %get3A_13 = vector.load %arg3[%get3A_10, %get3A_11, %get3A_12] : memref<1x768x1xf32, #tpu.memory_space<vmem>>, vector<1x768x1xf32>
    %get3A_14 = vector.shape_cast %get3A_13 : vector<1x768x1xf32> to vector<768x1xf32>
    %mul3A = arith.constant 2.000000e+00 : f32
    %mul3A_15 = vector.broadcast %mul3A : f32 to vector<768x20xf32>
    %mul3A_16 = arith.mulf %mul3A_15, %dot_general3A_9 : vector<768x20xf32>
    %sub3A = vector.broadcast %get3A_14 : vector<768x1xf32> to vector<768x20xf32>
    %sub3A_17 = arith.subf %sub3A, %mul3A_16 : vector<768x20xf32>
    %get3A_18 = arith.constant 0 : index
    %get3A_19 = arith.constant 0 : index
    %get3A_20 = arith.constant 0 : index
    %get3A_21 = vector.load %arg4[%get3A_18, %get3A_19, %get3A_20] : memref<1x1x20xf32, #tpu.memory_space<vmem>>, vector<1x1x20xf32>
    %get3A_22 = vector.shape_cast %get3A_21 : vector<1x1x20xf32> to vector<1x20xf32>
    %add3A = vector.broadcast %get3A_22 : vector<1x20xf32> to vector<768x20xf32>
    %add3A_23 = arith.addf %sub3A_17, %add3A : vector<768x20xf32>
    %argmin3A = tpu.reduce_index %add3A_23 {axis = 1 : i32, kind = #tpu.reduction_kind<arg_min>} : vector<768x20xf32> -> vector<768xi32>
    %broadcast_in_dim3A = vector.shape_cast %argmin3A : vector<768xi32> to vector<768x1xi32>
    %swap3A = arith.constant 0 : index
    %swap3A_24 = arith.constant 0 : index
    %swap3A_25 = arith.constant 0 : index
    %swap3A_26 = vector.load %arg5[%swap3A, %swap3A_24, %swap3A_25] : memref<1x768x1xi32, #tpu.memory_space<vmem>>, vector<1x768x1xi32>
    %swap3A_27 = vector.shape_cast %swap3A_26 : vector<1x768x1xi32> to vector<768x1xi32>
    %swap3A_28 = vector.shape_cast %broadcast_in_dim3A : vector<768x1xi32> to vector<1x768x1xi32>
    tpu.vector_store %arg5[%swap3A, %swap3A_24, %swap3A_25], %swap3A_28 {strides = array<i32>} : memref<1x768x1xi32, #tpu.memory_space<vmem>>, vector<1x768x1xi32>,
    %iota3A = tpu.iota {dimensions = array<i32: 1>} : vector<768x20xi32>
    %eq3A = vector.broadcast %broadcast_in_dim3A : vector<768x1xi32> to vector<768x20xi32>
    %eq3A_29 = arith.cmpi eq, %eq3A, %iota3A : vector<768x20xi32>
    %convert_element_type3A = arith.extui %eq3A_29 : vector<768x20xi1> to vector<768x20xi32>
    %convert_element_type3A_30 = arith.sitofp %convert_element_type3A : vector<768x20xi32> to vector<768x20xf32>
    %reduce_sum3A = arith.constant dense<0.000000e+00> : vector<20xf32>
    %reduce_sum3A_31 = vector.multi_reduction <add>, %convert_element_type3A_30, %reduce_sum3A [0] : vector<768x20xf32> to vector<20xf32>
    %broadcast_in_dim3A_32 = vector.shape_cast %reduce_sum3A_31 : vector<20xf32> to vector<1x20xf32>
    %swap3A_33 = arith.constant 0 : index
    %swap3A_34 = arith.constant 0 : index
    %swap3A_35 = arith.constant 0 : index
    %swap3A_36 = vector.load %arg6[%swap3A_33, %swap3A_34, %swap3A_35] : memref<1x1x20xf32, #tpu.memory_space<vmem>>, vector<1x1x20xf32>
    %swap3A_37 = vector.shape_cast %swap3A_36 : vector<1x1x20xf32> to vector<1x20xf32>
    %swap3A_38 = vector.shape_cast %broadcast_in_dim3A_32 : vector<1x20xf32> to vector<1x1x20xf32>
    tpu.vector_store %arg6[%swap3A_33, %swap3A_34, %swap3A_35], %swap3A_38 {strides = array<i32>} : memref<1x1x20xf32, #tpu.memory_space<vmem>>, vector<1x1x20xf32>,
    return
  }
  func.func @transform_0(%arg0: i32) -> (i32, i32, i32) {
    %c0_i32 = arith.constant 0 : i32
    %c0_i32_0 = arith.constant 0 : i32
    %c0_i32_1 = arith.constant 0 : i32
    return %arg0, %c0_i32, %c0_i32_0 : i32, i32, i32
  }
  func.func @transform_1(%arg0: i32) -> (i32, i32, i32) {
    %c0_i32 = arith.constant 0 : i32
    %c0_i32_0 = arith.constant 0 : i32
    %c0_i32_1 = arith.constant 0 : i32
    return %arg0, %c0_i32, %c0_i32_0 : i32, i32, i32
  }
  func.func @transform_2(%arg0: i32) -> (i32, i32, i32) {
    %c0_i32 = arith.constant 0 : i32
    %c0_i32_0 = arith.constant 0 : i32
    %c0_i32_1 = arith.constant 0 : i32
    return %arg0, %c0_i32, %c0_i32_0 : i32, i32, i32
  }
  func.func @transform_3(%arg0: i32) -> (i32, i32, i32) {
    %c0_i32 = arith.constant 0 : i32
    %c0_i32_0 = arith.constant 0 : i32
    %c0_i32_1 = arith.constant 0 : i32
    return %arg0, %c0_i32, %c0_i32_0 : i32, i32, i32
  }
  func.func @transform_4(%arg0: i32) -> (i32, i32, i32) {
    %c0_i32 = arith.constant 0 : i32
    %c0_i32_0 = arith.constant 0 : i32
    %c0_i32_1 = arith.constant 0 : i32
    return %arg0, %c0_i32, %c0_i32_0 : i32, i32, i32
  }
  func.func @transform_5(%arg0: i32) -> (i32, i32, i32) {
    %c0_i32 = arith.constant 0 : i32
    %c0_i32_0 = arith.constant 0 : i32
    %c0_i32_1 = arith.constant 0 : i32
    return %arg0, %c0_i32, %c0_i32_0 : i32, i32, i32
  }
}

</mosaic_0001>

<sc_bundles>
// kernel: scatter_offload_async_start.1
scs
__scs_entry_jumppad:
0x0: {  	(pc) =	sbr.rel $0x88, $3  }
0x1: {  	(tag) =	ssettag $0x0;
	lr =	simm.s32 $0x1  }
0x2: {  	[smem:$0x3FA0] =	sst lr;
	_ =	strace $0xD0000000  }
0x3: {  	_ = 	snop  }
0x4: {  	_ = 	snop  }
0x5: {  	_ = 	snop  }
0x6: {  	_ = 	snop  }
0x7: {  	_ = 	snop  }
__scs_overlays_trampoline_lowered:
0x8: {  	[smem:$0x3FAF] =	sst s0  }
0x9: {  	[smem:$0x3FB0] =	sst s1  }
0xa: {  	[smem:$0x3FB1] =	sst s2  }
0xb: {  	[smem:$0x3FB2] =	sst s3  }
0xc: {  	[smem:$0x3FB3] =	sst s4  }
0xd: {  	[smem:$0x3FB4] =	sst s5  }
0xe: {  	[smem:$0x3FB5] =	sst s6  }
0xf: {  	[smem:$0x3FB6] =	sst s7  }
0x10: {  	[smem:$0x3FB7] =	sst s8  }
0x11: {  	[smem:$0x3FB8] =	sst s9;
	s0 =	simm.s32 @!p0 $0x0  }
0x12: {  	s1 =	sld [smem:$0x3F9E];
	s0 =	simm.s32 @p0 $0x1  }
0x13: {  	[smem:$0x3FB9] =	sst s0;
	s0 =	simm.s32 @!p1 $0x0  }
0x14: {  	s2 =	sld [smem:$0x3F9D];
	s0 =	simm.s32 @p1 $0x1  }
0x15: {  	[smem:$0x3FBA] =	sst s0;
	s0 =	simm.s32 @!p2 $0x0  }
0x16: {  	s3 =	sld [smem:$0x3FDB];
	s0 =	simm.s32 @p2 $0x1  }
0x17: {  	s4 =	simm.s32 $0x1BF5;
	[smem:$0x3FBC] =	sst s0  }
0x18: {  	s0 =	sld [smem:$0x3F9F];
	_ =	swait.ge [sflag:s4], $0x0  }
0x19: {  	s7 =	sld [smem:$0x3FA0]  }
0x1a: {  	s8 =	sadd.s32 $0xFFFFE003, lr  }
0x1b: {  	s9 =	sadd.s32 $0xFFFFFEF7, lr;
	s5 =	simm.s32 $0xFFFFFFFF;
	p2 =	slt.u32 s8, $0xFFFFF086  }
0x1c: {  	p1 =	slt.u32 s9, $0xF7A;
	s5 =	simm.s32 @!p2 $0x0  }
0x1d: {  	s5 =	simm.s32 @p1 $0x1;
	p0 =	seq.s32 s7, s2  }
0x1e: {  	s7 =	smul.u32 @!p0 $0xF7A, s2;
	p2 =	seq.s32 @!p0 s5, $0x0  }
0x1f: {  	s9 =	smul.u32 $0xF7A, s1;
	s8 =	simm.s32 @!p0 $0x1BF5;
	p2 =	por !p2, p0  }
0x20: {  	[sflag:s8] =	ssyncset.s32 @!p0 $0xFFFFF086;
	s6 =	sadd.s32 @!p0 s3, s7;
	s7 =	simm.s32 @!p0 $0x108  }
0x21: {  	s3 =	sadd.s32 s3, s9;
	s6 =	sadd.s32 @!p0 $0x88, s6;
	s7 =	simm.s32 @p2 $0x1082  }
0x22: {  	[simem:s7], [sflag:s8] =	dma.local @!p0 [hbm:s6], $0xF7A  }
0x23: {  	s9 =	sor.u32 $0xD0000000, s2;
	s6 =	simm.s32 $0x108;
	_ =	swait.ge @!p0 [sflag:s8], $0x0  }
0x24: {  	s3 =	sadd.s32 $0x88, s3;
	s6 =	simm.s32 @!p1 $0x1082;
	[sflag:s4] =	ssyncset.s32 $0xFFFFF086  }
0x25: {  	[simem:s6], [sflag:s4] =	dma.local [hbm:s3], $0xF7A  }
0x26: {  	[smem:$0x3FA0] =	sst s1;
	(tag) =	ssettag s2;
	_ =	strace s9  }
0x27: {  	s1 =	sld [smem:$0x3FB0]  }
0x28: {  	s2 =	sld [smem:$0x3FB1]  }
0x29: {  	s4 =	sld [smem:$0x3FB3]  }
0x2a: {  	p0 =	seq.s32 s5, $0x0;
	s5 =	sld [smem:$0x3FB4]  }
0x2b: {  	s6 =	sld [smem:$0x3FB5]  }
0x2c: {  	s7 =	sld [smem:$0x3FB6]  }
0x2d: {  	s3 =	simm.s32 $0x108;
	s8 =	sld [smem:$0x3FB7]  }
0x2e: {  	s3 =	simm.s32 @!p0 $0x1082;
	s9 =	sld [smem:$0x3FB8]  }
0x2f: {  	lr =	sadd.s32 s0, s3;
	s0 =	sld [smem:$0x3FAF]  }
0x30: {  	s3 =	sld [smem:$0x3FB2]  }
0x31: {  	[smem:$0x3FBB] =	sst s10  }
0x32: {  	s10 =	sld [smem:$0x3FB9];
	_ =	sdelay $0x3  }
0x33: {  	p0 =	seq.s32 s10, $0x1;
	s10 =	sld [smem:$0x3FBB];
	_ =	sdelay $0x3  }
0x34: {  	[smem:$0x3FBB] =	sst s10  }
0x35: {  	s10 =	sld [smem:$0x3FBA];
	_ =	sdelay $0x3  }
0x36: {  	p1 =	seq.s32 s10, $0x1;
	s10 =	sld [smem:$0x3FBB];
	_ =	sdelay $0x3  }
0x37: {  	[smem:$0x3FBB] =	sst s10  }
0x38: {  	s10 =	sld [smem:$0x3FBC]  }
0x39: {  	_ = 	snop;
	(pc) =	sbr.ind lr, $3  }
0x3a: {  	_ = 	snop  }
0x3b: {  	_ = 	snop  }
0x3c: {  	p2 =	seq.s32 s10, $0x1;
	s10 =	sld [smem:$0x3FBB]  }
0x3d: {  	_ =	shalt  }
0x3e: {  	_ =	shalt  }
0x3f: {  	_ =	shalt  }
0x40: {  	_ =	shalt  }
0x41: {  	_ =	shalt  }
0x42: {  	_ =	shalt  }
0x43: {  	_ =	shalt  }
0x44: {  	_ =	shalt  }
0x45: {  	_ =	shalt  }
0x46: {  	_ =	shalt  }
0x47: {  	_ =	shalt  }
0x48: {  	_ =	shalt  }
0x49: {  	_ =	shalt  }
0x4a: {  	_ =	shalt  }
0x4b: {  	_ =	shalt  }
0x4c: {  	_ =	shalt  }
0x4d: {  	_ =	shalt  }
0x4e: {  	_ =	shalt  }
0x4f: {  	_ =	shalt  }
0x50: {  	_ =	shalt  }
0x51: {  	_ =	shalt  }
0x52: {  	_ =	shalt  }
0x53: {  	_ =	shalt  }
0x54: {  	_ =	shalt  }
0x55: {  	_ =	shalt  }
0x56: {  	_ =	shalt  }
0x57: {  	_ =	shalt  }
0x58: {  	_ =	shalt  }
0x59: {  	_ =	shalt  }
0x5a: {  	_ =	shalt  }
0x5b: {  	_ =	shalt  }
0x5c: {  	_ =	shalt  }
0x5d: {  	_ =	shalt  }
0x5e: {  	_ =	shalt  }
0x5f: {  	_ =	shalt  }
0x60: {  	_ =	shalt  }
0x61: {  	_ =	shalt  }
0x62: {  	_ =	shalt  }
0x63: {  	_ =	shalt  }
0x64: {  	_ =	shalt  }
0x65: {  	_ =	shalt  }
0x66: {  	_ =	shalt  }
0x67: {  	_ =	shalt  }
0x68: {  	_ =	shalt  }
0x69: {  	_ =	shalt  }
0x6a: {  	_ =	shalt  }
0x6b: {  	_ =	shalt  }
0x6c: {  	_ =	shalt  }
0x6d: {  	_ =	shalt  }
0x6e: {  	_ =	shalt  }
0x6f: {  	_ =	shalt  }
0x70: {  	_ =	shalt  }
0x71: {  	_ =	shalt  }
0x72: {  	_ =	shalt  }
0x73: {  	_ =	shalt  }
0x74: {  	_ =	shalt  }
0x75: {  	_ =	shalt  }
0x76: {  	_ =	shalt  }
0x77: {  	_ =	shalt  }
0x78: {  	_ =	shalt  }
0x79: {  	_ =	shalt  }
0x7a: {  	_ =	shalt  }
0x7b: {  	_ =	shalt  }
0x7c: {  	_ =	shalt  }
0x7d: {  	_ =	shalt  }
0x7e: {  	_ =	shalt  }
0x7f: {  	_ =	shalt  }
0x80: {  	_ =	shalt  }
0x81: {  	_ =	shalt  }
0x82: {  	_ =	shalt  }
0x83: {  	_ =	shalt  }
0x84: {  	_ =	shalt  }
0x85: {  	_ =	shalt  }
0x86: {  	_ =	shalt  }
0x87: {  	_ =	shalt  }
.Lfunc_end0:
.L_simem_size_0:
called_computation.1_lowered:
.L_overlay_start_0:
0x88: {  	s2 =	sld [smem:$0x3FD9]  }
0x89: {  	s3 =	sld [smem:$0x3FFE];
	_ =	sdelay $0x1  }
0x8a: {  	s1 =	srdreg.scid  }
0x8b: {  	s0 =	sand.u32 $0x1, s1  }
0x8c: {  	s16 =	sshll.u32 s0, $0xA;
	s2 =	sadd.s32 s3, s2  }
0x8d: {  	s2 =	sadd.s32 s2, s16  }
0x8e: {  	[smem:$0x3FC7] =	sst s2  }
0x8f: {  	_ = 	snop  }
0x90: {  	s2 =	sld [smem:$0x3FD0];
	(tm) =	ssettm $0x1  }
0x91: {  	s17 =	sld [smem:$0x3FFB];
	_ =	sdelay $0x3  }
0x92: {  	_ =	strace s17  }
0x93: {  	s3 =	sld [smem:$0x3FFC];
	_ =	sdelay $0x3  }
0x94: {  	_ =	strace s3  }
0x95: {  	s3 =	sld [smem:$0x3FFD];
	_ =	sdelay $0x3  }
0x96: {  	_ =	strace s3  }
0x97: {  	_ =	strace $0x8FFFFFFF  }
0x98: {  	s18 =	sld [smem:$0x3FDB];
	_ =	sdelay $0x1  }
0x99: {  	s4 =	simm.s32 $_scs_section_size  }
0x9a: {  	s5 =	simm.s32 $_size__tile_overlayer_lowered;
	s6 =	simm.s32 $_tile_overlayer_lowered  }
0x9b: {  	s21 =	simm.s32 $0x1BFF;
	s20 =	sshll.u32 s6, $0x1;
	s3 =	sadd.s32 s4, s18  }
0x9c: {  	s7 =	simm.s32 $0x0;
	s19 =	sshll.u32 s5, $0x1;
	s5 =	sadd.s32 s20, s3  }
0x9d: {  	[timem:s7], [sflag:s21] =	dma.local [hbm:s5], s19  }
0x9e: {  	_ =	swait.ge [sflag:s21], s19  }
0x9f: {  	s4 =	ssub.s32 $0x0, s19;
	[sflag:s21] =	ssyncset.done $0x0  }
0xa0: {  	[sflag:s21] =	ssyncadd.s32 s4;
	_ =	sdelay $0x1  }
0xa1: {  	s22 =	simm.s32 $0x1B8B  }
0xa2: {  	_ =	swait.ge [sflag:s22], $0x1  }
0xa3: {  	[sflag:s22] =	ssyncset.done $0x0  }
0xa4: {  	s23 =	sld [smem:$0x3FFE];
	[sflag:s22] =	ssyncadd.s32 $0xFFFFFFFF  }
0xa5: {  	s25 =	simm.s32 $0x1B8E;
	s24 =	sld [smem:$0x0]  }
0xa6: {  	s26 =	simm.s32 $execute0_lowered;
	[smem:$0x3FD2] =	sst s25  }
0xa7: {  	s6 =	sshll.u32 s26, $0x1;
	_ =	strace $0x80000046;
	[dreg:$0x1] =	wrdreg $0xFFFFFFFF  }
0xa8: {  	s28 =	simm.s32 $_size_execute0_lowered;
	s3 =	sadd.s32 s3, s6;
	[dreg:$0x0] =	wrdreg $0x0  }
0xa9: {  	s6 =	sshll.u32 s28, $0x1;
	[dreg:$0x2] =	wrdreg s3  }
0xaa: {  	[dreg:$0x3] =	wrdreg s6  }
0xab: {  	[dreg:$0x4] =	wrdreg $0xC0  }
0xac: {  	_ =	task [dreg:s7], $0x5FFFF  }
0xad: {  	[dreg:$0x1] =	wrdreg $0xFFFFFFFF  }
0xae: {  	[dreg:$0x0] =	wrdreg $0x60  }
0xaf: {  	[dreg:$0x2] =	wrdreg s23  }
0xb0: {  	[dreg:$0x3] =	wrdreg s2  }
0xb1: {  	[dreg:$0x4] =	wrdreg s1  }
0xb2: {  	[dreg:$0x5] =	wrdreg s24  }
0xb3: {  	[dreg:$0x6] =	wrdreg $0x9  }
0xb4: {  	_ =	task.clear_ibuf [dreg:s7], $0x7FFFF;
	_ =	strace $0x90000046  }
0xb5: {  	s29 =	simm.s32 $0x9;
	_ =	strace $0x80000048  }
0xb6: {  	_ =	swait.ge [sflag:s29], $0x1  }
0xb7: {  	[sflag:s29] =	ssyncadd.s32 $0xFFFFFFFF  }
0xb8: {  	_ =	strace $0x90000048  }
0xb9: {  	_ =	sfence  }
0xba: {  	s30 =	sld [smem:$0x0];
	_ =	sdelay $0x2  }
0xbb: {  	s31 =	sshll.u32 s1, $0xD;
	s1 =	sshrl.u32 s1, $0x2  }
0xbc: {  	s3 =	sand.u32 $0x4000, s31;
	s1 =	sadd.s32 s1, s30  }
0xbd: {  	s0 =	sor.u32 s3, s0;
	s1 =	sshll.u32 s1, $0x11  }
0xbe: {  	s0 =	sor.u32 s1, s0  }
0xbf: {  	s0 =	sadd.s32 $0x8F2B, s0  }
0xc0: {  	[sflag:s0] =	ssyncadd.remote.s32 $0x1  }
0xc1: {  	_ =	sfence.sel $0xFFFF  }
0xc2: {  	[dreg:$0x0] =	wrdreg $0xFFFFFFFF;
	(pc) =	sbr.abs _section_cstart, $3  }
0xc3: {  	[dreg:$0x1] =	wrdreg $0xFFFFFFFF  }
0xc4: {  	_ =	task.clear_ibuf [dreg:s7], $0x2FFFF;
	_ =	strace $0x9FFFFFFF  }
0xc5: {  	(tm) =	ssettm $0x7FFFFFFF  }
tec
execute0_lowered:
.L_overlay_start_1:
0x0: {  	(tag) =	ssettag $0x1  }
0x1: {  	s6 =	rddreg [dreg:$0x0]  }
0x2: {  	s0 =	rddreg [dreg:$0x1]  }
0x3: {  	s2 =	rddreg [dreg:$0x2];
	_ =	strace $0x80000047;
	s1 =	simm.s32 $0x1  }
0x4: {  	s4 =	simm.s32 $0x488;
	v0 =	vimm.s32 $0x0;
	[sflag:s1] =	ssyncpa.u1 $0x0  }
0x5: {  	[tilespmem:s4+$0x30] =	vst v0  }
0x6: {  	s5 =	simm.s32 $0x40;
	[tilespmem:s4+$0x20] =	vst v0  }
0x7: {  	s1 =	sadd.s32 $0x3C200, s6;
	s3 =	sadd.s32 $0x3C000, s6;
	s2 =	sand.u32 $0x1, s2;
	[tilespmem:s4+$0x10] =	vst v0  }
.LBB2_1:
0x8: {  	s5 =	sadd.s32 $0x40, s5  }
0x9: {  	[tilespmem:s4+$0x0] =	vst v0;
	s4 =	sadd.s32 $0x40, s4;
	p0 =	slt.u32 s5, $0x4A40  }
.Ltmp0:
0xa: {  	(pc) =	sbr.rel @p0 .LBB2_1-.Ltmp0, $4  }
0xb: {  	_ = 	snop  }
0xc: {  	[tilespmem:s4+$0x30] =	vst v0  }
0xd: {  	[tilespmem:s4+$0x20] =	vst v0  }
0xe: {  	[tilespmem:s4+$0x10] =	vst v0  }
0xf: {  	s26 =	simm.s32 $0x2;
	s28 =	stileid.u32  }
0x10: {  	s5 =	simm.s32 $0x9;
	s29 =	simm.s32 $0xA;
	[dreg:$0x5] =	wrdreg s2  }
0x11: {  	s30 =	smul.u32 $0xC0, s2;
	s31 =	simm.s32 $0xB;
	s23 =	simm.s32 $0x0  }
0x12: {  	p0 =	por $0x1, $0x1;
	p1 =	por $0x0, $0x0;
	s16 =	simm.s32 $0x1  }
0x13: {  	s17 =	simm.s32 $0x80;
	s18 =	simm.s32 $0x400;
	s19 =	smul.u32 $0x60, s28  }
.Ltmp1:
0x14: {  	s9 =	simm.s32 $0xC;
	s21 =	simm.s32 $0x0;
	(pc) =	sbr.rel .LBB2_3-.Ltmp1, $4  }
0x15: {  	[tilespmem:s4+$0x0] =	vst v0;
	v0 =	vimm.s32 $0xFFFFFFFF;
	s20 =	simm.s32 $0x0;
	[sflag:s26] =	ssyncpa.u1 $0x0;
	s4 =	smul.u32 $0x1200, s28  }
0x16: {  	[tilespmem:$0x9908] =	vst v0;
	[sflag:s5] =	ssyncpa.u1 $0x0;
	s7 =	sadd.s32 s30, s3;
	s0 =	sadd.s32 s30, s0  }
0x17: {  	[sflag:s29] =	ssyncpa.u1 $0x0;
	s12 =	sadd.s32 $0x60, s19;
	[dreg:$0x6] =	wrdreg s0  }
0x18: {  	v0 =	vlaneseq.u32;
	s15 =	sshrl.u32 s4, $0x2;
	s22 =	smov.u32 s19;
	[sflag:s31] =	ssyncpa.u1 $0x0  }
.LBB2_30:
0x19: {  	s0 =	sshrl.u32 s31, $0x2  }
.LBB2_32:
0x1a: {  	_ =	swait.ge [sflag:s9], s0  }
0x1b: {  	s31 =	ssub.s32 $0x0, s0;
	v1 =	vmov s25;
	vm0 =	veq.s32 v0, $0x0;
	[sflag:s9] =	ssyncset.done $0x0  }
0x1c: {  	vm15 =	veq.s32 v0, $0x2;
	v1 =	vsel vm0, s30, v1;
	[sflag:s9] =	ssyncadd.s32 s31  }
0x1d: {  	v1 =	vsel vm15, s23, v1;
	[sflag:s9] =	ssyncpa.u1 $0x1  }
0x1e: {  	[tilespmem:$0x9908] =	vst v1  }
.LBB2_33:
0x1f: {  	s0 =	sadd.s32 $0x20, s22  }
0x20: {  	s2 =	smov.u32 s19;
	s20 =	sadd.s32 $0x1, s20;
	p2 =	slt.s32 s0, s12  }
0x21: {  	s2 =	smov.u32 @p2 s0;
	p2 =	sne.s32 s20, $0x5  }
.Ltmp2:
0x22: {  	_ = 	snop;
	(pc) =	sbr.rel @!p2 .LBB2_34-.Ltmp2, $3  }
0x23: {  	_ =	sdelay $0x1  }
0x24: {  	s23 =	smov.u32 s21;
	s21 =	smov.u32 s22  }
0x25: {  	p0 =	por !p0, !p0;
	p1 =	por !p1, !p1;
	s22 =	smov.u32 s2  }
.LBB2_3:
0x26: {  	p2 =	sgt.u32 s20, $0x2  }
0x27: {  	p3 =	sgt.s32 @!p2 s22, $0x5E0  }
0x28: {  	s0 =	smov.u32 s22;
	s2 =	sshra.s32 @!p2 s22, $0x1F;
	p3 =	por !p3, p2  }
0x29: {  	s2 =	sand.u32 @!p2 s2, s22;
	s0 =	simm.s32 @p3 $0x5E0  }
0x2a: {  	s0 =	ssub.s32 @!p2 s0, s2  }
0x2b: {  	s0 =	sadd.s32 @!p2 $0xFFFFFA20, s0  }
0x2c: {  	s3 =	sshrl.u32 @!p2 s22, $0x3;
	s4 =	sand.u32 @!p2 $0x7, s22;
	s2 =	sshll.u32 @!p2 s0, $0x2  }
0x2d: {  	p3 =	sgt.s32 @!p2 s0, $0x1F;
	s0 =	ssub.s32 @!p2 $0x80, s2;
	s2 =	sshll.u32 @!p2 s20, $0x5  }
0x2e: {  	p3 =	por !p3, p2;
	s0 =	sshrl.u32 @!p2 s0, $0x2;
	s2 =	sand.u32 @!p2 $0x3FFFFFE0, s2  }
0x2f: {  	s3 =	sadd.s32 @!p2 s3, s7;
	s0 =	simm.s32 @!p3 $0x0;
	s2 =	sadd.s32 @!p2 $0xE148, s2  }
0x30: {  	[tilespmem:s2], [sflag:$0xA] =	stream.linear.gather @!p2 [hbm4b:s3+s4], s0, $0x38;
	[tilespmem:$0x181E8] =	vst v63  }
0x31: {  	s0 =	sadd.s32 $0xFFFFFFFF, s20  }
0x32: {  	p2 =	slt.u32 s0, $0x3  }
.Ltmp3:
0x33: {  	_ = 	snop;
	(pc) =	sbr.rel @!p2 .LBB2_9-.Ltmp3, $1  }
0x34: {  	_ =	sdelay $0x3  }
0x35: {  	p2 =	sgt.s32 s21, $0x5E0;
	s2 =	smov.u32 s21;
	s3 =	sshra.s32 s21, $0x1F  }
0x36: {  	s2 =	simm.s32 @!p2 $0x5E0;
	s3 =	sand.u32 s3, s21  }
0x37: {  	s2 =	ssub.s32 s2, s3  }
0x38: {  	s2 =	sadd.s32 $0xFFFFFA20, s2  }
0x39: {  	s8 =	sshll.u32 s2, $0x2  }
0x3a: {  	s5 =	simm.s32 $0xA;
	s3 =	ssub.s32 $0x80, s8  }
0x3b: {  	s10 =	sand.u32 $0x1, s0;
	p2 =	sgt.s32 s2, $0x1F;
	s2 =	sshrl.u32 s3, $0x2  }
0x3c: {  	s11 =	sshrl.u32 s21, $0x3;
	s14 =	sand.u32 $0x7, s21;
	s2 =	simm.s32 @p2 $0x0  }
0x3d: {  	s24 =	sshll.u32 s0, $0x5;
	s3 =	sshll.u32 s10, $0x5;
	_ =	swait.ge [sflag:s5], s2  }
0x3e: {  	s4 =	ssub.s32 $0x0, s2;
	[sflag:s5] =	ssyncset.done $0x0;
	s13 =	rddreg [dreg:$0x6]  }
0x3f: {  	s3 =	sadd.s32 $0xE1A8, s3;
	[sflag:s5] =	ssyncadd.s32 s4;
	s4 =	sadd.s32 s11, s13  }
0x40: {  	[tilespmem:s3], [sflag:$0xB] =	stream.linear.gather [hbm4b:s4+s14], s2, $0x38;
	[tilespmem:$0x181E8] =	vst v63  }
0x41: {  	s4 =	sand.u32 $0x3FFFFFE0, s24  }
0x42: {  	v1 =	vld.msk [tilespmem:s4+$0xE148], $0xffff;
	_ =	sdelay $0x3  }
0x43: {  	s25 =	simm.s32 $0x0  }
0x44: {  	(v2sf) =	vpush v1, s25;
	_ =	sdelay $0x5  }
0x45: {  	s26 =	simm.s32 $0x1  }
0x46: {  	(v2sf) =	vpush v1, s26;
	_ =	sdelay $0x4  }
0x47: {  	s30 =	simm.s32 $0x2  }
0x48: {  	(v2sf) =	vpush v1, s30  }
0x49: {  	s31 =	simm.s32 $0x3  }
0x4a: {  	s28 =	spop (v2sf);
	(v2sf) =	vpush v1, s31;
	_ =	sdelay $0x1  }
0x4b: {  	s2 =	simm.s32 $0x1;
	s29 =	sshrl.u32 s28, $0x3  }
0x4c: {  	s2 =	simm.s32 @!p0 $0x0;
	s0 =	sshll.u32 s28, $0x7;
	s3 =	smul.u32 $0x1400, s29  }
0x4d: {  	s2 =	smul.u32 $0x14000, s2;
	s0 =	sand.u32 $0x380, s0  }
0x4e: {  	s0 =	sor.u32 s0, s3  }
0x4f: {  	s2 =	sshrl.u32 s2, $0x2;
	s0 =	sshrl.u32 s0, $0x3  }
0x50: {  	s24 =	spop (v2sf);
	s3 =	sadd.s32 $0xE1E8, s2;
	s0 =	sadd.s32 s6, s0  }
0x51: {  	[tilespmem:s3], [sflag:$0x9] =	stream.strided.gather [hbm4b:s0+s17], $0x280, s18, s17, $0x38;
	[tilespmem:$0x181E8] =	vst v63  }
0x52: {  	s5 =	simm.s32 $0x4;
	s0 =	sor.u32 $0x109E8, s2;
	s2 =	sshrl.u32 s24, $0x3  }
.LBB2_5:
0x53: {  	(v2sf) =	vpush v1, s5;
	s2 =	smul.u32 $0x1400, s2;
	s14 =	sshll.u32 s24, $0x7;
	p2 =	seq.s32 s5, $0xF  }
.Ltmp4:
0x54: {  	s5 =	sadd.s32 $0x1, s5;
	s14 =	sand.u32 $0x380, s14;
	(pc) =	sbr.rel @!p2 .LBB2_5-.Ltmp4, $4  }
0x55: {  	s2 =	sor.u32 s14, s2  }
0x56: {  	s24 =	spop (v2sf);
	s14 =	sshrl.u32 s2, $0x3  }
0x57: {  	s3 =	sadd.s32 $0x280, s3;
	s2 =	sshrl.u32 s24, $0x3;
	s14 =	sadd.s32 s6, s14  }
0x58: {  	[tilespmem:s3], [sflag:$0x9] =	stream.strided.gather [hbm4b:s14+s17], $0x280, s18, s17, $0x38;
	[tilespmem:$0x181E8] =	vst v63  }
0x59: {  	s2 =	smul.u32 $0x1400, s2;
	s5 =	sshll.u32 s24, $0x7  }
0x5a: {  	s5 =	sand.u32 $0x380, s5  }
0x5b: {  	s8 =	spop (v2sf);
	s3 =	sadd.s32 $0x280, s3;
	s2 =	sor.u32 s5, s2  }
0x5c: {  	s14 =	sshrl.u32 s8, $0x3;
	s5 =	sshll.u32 s8, $0x7;
	s2 =	sshrl.u32 s2, $0x3  }
0x5d: {  	s10 =	smul.u32 $0x1400, s14;
	s5 =	sand.u32 $0x380, s5;
	s2 =	sadd.s32 s6, s2  }
0x5e: {  	[tilespmem:s3], [sflag:$0x9] =	stream.strided.gather [hbm4b:s2+s17], $0x280, s18, s17, $0x38;
	[tilespmem:$0x181E8] =	vst v63  }
0x5f: {  	s2 =	sor.u32 s5, s10  }
0x60: {  	s2 =	sshrl.u32 s2, $0x3  }
0x61: {  	s3 =	sadd.s32 $0x280, s3;
	s2 =	sadd.s32 s6, s2  }
0x62: {  	[tilespmem:s3], [sflag:$0x9] =	stream.strided.gather [hbm4b:s2+s17], $0x280, s18, s17, $0x38;
	[tilespmem:$0x181E8] =	vst v63  }
0x63: {  	s11 =	spop (v2sf)  }
0x64: {  	s13 =	sshrl.u32 s11, $0x3  }
0x65: {  	s5 =	sshll.u32 s11, $0x7;
	s24 =	smul.u32 $0x1400, s13  }
0x66: {  	s5 =	sand.u32 $0x380, s5  }
0x67: {  	s2 =	sor.u32 s5, s24  }
0x68: {  	s2 =	sshrl.u32 s2, $0x3  }
0x69: {  	s3 =	sadd.s32 $0x280, s3;
	s2 =	sadd.s32 s6, s2  }
0x6a: {  	[tilespmem:s3], [sflag:$0x9] =	stream.strided.gather [hbm4b:s2+s17], $0x280, s18, s17, $0x38;
	[tilespmem:$0x181E8] =	vst v63  }
0x6b: {  	v1 =	vld.msk [tilespmem:s4+$0xE158], $0xffff;
	_ =	sdelay $0x3  }
0x6c: {  	s25 =	simm.s32 $0x0  }
0x6d: {  	(v2sf) =	vpush v1, s25;
	_ =	sdelay $0x7  }
0x6e: {  	s26 =	simm.s32 $0x1  }
0x6f: {  	(v2sf) =	vpush v1, s26;
	_ =	sdelay $0x4  }
0x70: {  	s30 =	simm.s32 $0x2  }
0x71: {  	s28 =	spop (v2sf);
	(v2sf) =	vpush v1, s30  }
0x72: {  	s31 =	simm.s32 $0x3  }
0x73: {  	(v2sf) =	vpush v1, s31;
	_ =	sdelay $0x1  }
0x74: {  	s29 =	sshrl.u32 s28, $0x3  }
0x75: {  	s2 =	sshll.u32 s28, $0x7;
	s3 =	smul.u32 $0x1400, s29  }
0x76: {  	s2 =	sand.u32 $0x380, s2  }
0x77: {  	s2 =	sor.u32 s2, s3  }
0x78: {  	s2 =	sshrl.u32 s2, $0x3  }
0x79: {  	s4 =	spop (v2sf);
	s2 =	sadd.s32 s6, s2  }
0x7a: {  	[tilespmem:s0], [sflag:$0x9] =	stream.strided.gather [hbm4b:s2+s17], $0x280, s18, s17, $0x38;
	[tilespmem:$0x181E8] =	vst v63  }
0x7b: {  	s3 =	simm.s32 $0x4;
	s2 =	sshrl.u32 s4, $0x3  }
.LBB2_7:
0x7c: {  	(v2sf) =	vpush v1, s3;
	s2 =	smul.u32 $0x1400, s2;
	s4 =	sshll.u32 s4, $0x7;
	p2 =	seq.s32 s3, $0xF  }
.Ltmp5:
0x7d: {  	s3 =	sadd.s32 $0x1, s3;
	s4 =	sand.u32 $0x380, s4;
	(pc) =	sbr.rel @!p2 .LBB2_7-.Ltmp5, $4  }
0x7e: {  	s2 =	sor.u32 s4, s2  }
0x7f: {  	s4 =	spop (v2sf);
	s5 =	sshrl.u32 s2, $0x3  }
0x80: {  	s0 =	sadd.s32 $0x280, s0;
	s2 =	sshrl.u32 s4, $0x3;
	s5 =	sadd.s32 s6, s5  }
0x81: {  	[tilespmem:s0], [sflag:$0x9] =	stream.strided.gather [hbm4b:s5+s17], $0x280, s18, s17, $0x38;
	[tilespmem:$0x181E8] =	vst v63  }
0x82: {  	s2 =	smul.u32 $0x1400, s2;
	s3 =	sshll.u32 s4, $0x7  }
0x83: {  	s3 =	sand.u32 $0x380, s3  }
0x84: {  	s25 =	spop (v2sf);
	s0 =	sadd.s32 $0x280, s0;
	s2 =	sor.u32 s3, s2  }
0x85: {  	s26 =	sshrl.u32 s25, $0x3;
	s3 =	sshll.u32 s25, $0x7;
	s2 =	sshrl.u32 s2, $0x3  }
0x86: {  	s28 =	smul.u32 $0x1400, s26;
	s3 =	sand.u32 $0x380, s3;
	s2 =	sadd.s32 s6, s2  }
0x87: {  	[tilespmem:s0], [sflag:$0x9] =	stream.strided.gather [hbm4b:s2+s17], $0x280, s18, s17, $0x38;
	[tilespmem:$0x181E8] =	vst v63  }
0x88: {  	s2 =	sor.u32 s3, s28  }
0x89: {  	s2 =	sshrl.u32 s2, $0x3  }
0x8a: {  	s0 =	sadd.s32 $0x280, s0;
	s2 =	sadd.s32 s6, s2  }
0x8b: {  	[tilespmem:s0], [sflag:$0x9] =	stream.strided.gather [hbm4b:s2+s17], $0x280, s18, s17, $0x38;
	[tilespmem:$0x181E8] =	vst v63  }
0x8c: {  	s29 =	spop (v2sf)  }
0x8d: {  	s30 =	sshrl.u32 s29, $0x3  }
0x8e: {  	s3 =	sshll.u32 s29, $0x7;
	s31 =	smul.u32 $0x1400, s30  }
0x8f: {  	s3 =	sand.u32 $0x380, s3  }
0x90: {  	s2 =	sor.u32 s3, s31  }
0x91: {  	s2 =	sshrl.u32 s2, $0x3  }
0x92: {  	s0 =	sadd.s32 $0x280, s0;
	s2 =	sadd.s32 s6, s2  }
0x93: {  	[tilespmem:s0], [sflag:$0x9] =	stream.strided.gather [hbm4b:s2+s17], $0x280, s18, s17, $0x38;
	[tilespmem:$0x181E8] =	vst v63  }
.LBB2_9:
0x94: {  	p2 =	slt.u32 s20, $0x2  }
.Ltmp6:
0x95: {  	_ = 	snop;
	(pc) =	sbr.rel @p2 .LBB2_33-.Ltmp6, $1  }
0x96: {  	_ =	sdelay $0x3  }
0x97: {  	p2 =	sgt.s32 s23, $0x5E0;
	s0 =	smov.u32 s23;
	s2 =	sshra.s32 s23, $0x1F  }
0x98: {  	s0 =	simm.s32 @!p2 $0x5E0;
	s2 =	sand.u32 s2, s23  }
0x99: {  	s0 =	ssub.s32 s0, s2  }
0x9a: {  	s0 =	sadd.s32 $0xFFFFFA20, s0  }
0x9b: {  	s3 =	simm.s32 $0x9;
	s28 =	sshll.u32 s0, $0x2  }
0x9c: {  	_ =	swait.ge [sflag:s3], $0x5000;
	s2 =	ssub.s32 $0x80, s28  }
0x9d: {  	[sflag:s3] =	ssyncset.done $0x0;
	p2 =	sgt.s32 s0, $0x1F;
	s0 =	sshrl.u32 s2, $0x2  }
0x9e: {  	s29 =	simm.s32 $0xB;
	[sflag:s3] =	ssyncadd.s32 $0xFFFFB000;
	s0 =	simm.s32 @p2 $0x0  }
0x9f: {  	_ =	swait.ge [sflag:s29], s0  }
0xa0: {  	s0 =	ssub.s32 $0x0, s0;
	[sflag:s29] =	ssyncset.done $0x0  }
0xa1: {  	[sflag:s29] =	ssyncadd.s32 s0  }
0xa2: {  	v1 =	vld [tilespmem:$0x9908];
	_ =	sdelay $0x4  }
0xa3: {  	(v2sf) =	vpush v1, $0x0  }
0xa4: {  	(v2sf) =	vpush v1, $0x1  }
0xa5: {  	(v2sf) =	vpush v1, $0x2;
	_ =	sdelay $0x3  }
0xa6: {  	s0 =	sadd.s32 $0x20, s23  }
0xa7: {  	s2 =	ssub.s32 $0xC00, s23;
	p2 =	slt.s32 s12, s0  }
0xa8: {  	s0 =	smov.u32 @p2 s12;
	p2 =	sgt.s32 s2, $0x0  }
0xa9: {  	s24 =	ssub.s32 s0, s23;
	s2 =	simm.s32 @!p2 $0x0  }
0xaa: {  	p2 =	slt.s32 s2, s24  }
0xab: {  	s24 =	smov.u32 @p2 s2  }
0xac: {  	p2 =	slt.s32 s24, $0x1  }
.Ltmp7:
0xad: {  	_ = 	snop;
	(pc) =	sbr.rel @p2 .LBB2_14-.Ltmp7, $4  }
0xae: {  	s0 =	simm.s32 $0x1  }
0xaf: {  	s0 =	simm.s32 @!p1 $0x0;
	s4 =	spop (v2sf)  }
0xb0: {  	s31 =	sshll.u32 s0, $0x5;
	s26 =	spop (v2sf)  }
0xb1: {  	s30 =	sadd.s32 $0xE1A8, s31;
	s23 =	spop (v2sf)  }
0xb2: {  	s2 =	smin.u32 s24, $0x10  }
0xb3: {  	v1 =	vmov s2  }
0xb4: {  	vm1 =	vgt.u32 v1, v0;
	_ =	sdelay $0x1  }
0xb5: {  	p3 =	sgt.s32 s24, $0x10  }
.Ltmp8:
0xb6: {  	_ = 	snop;
	(pc) =	sbr.rel @!p3 .LBB2_13-.Ltmp8, $3  }
0xb7: {  	_ =	sdelay $0x1  }
0xb8: {  	v1 =	vld.msk [tilespmem:s30+$0x0 ss:$0x1], vm1  }
0xb9: {  	s5 =	simm.s32 $0x10;
	s25 =	sadd.s32 $0xFFFFFFF0, s24;
	s3 =	smov.u32 s30;
	vm0 =	vmmov vm1  }
.LBB2_12:
0xba: {  	s2 =	smin.u32 s25, $0x10;
	s5 =	sadd.s32 $0x10, s5  }
0xbb: {  	v2 =	vmov s2;
	p3 =	slt.s32 s5, s24  }
0xbc: {  	vm1 =	vgt.u32 v2, v0  }
0xbd: {  	v2 =	vshrl.u32 v1, $0x3  }
0xbe: {  	v1 =	vshll.u32 v1, $0x4;
	v2 =	vmul.u32 $0x280, v2  }
0xbf: {  	v1 =	vand.u32 $0x70, v1  }
.Ltmp9:
0xc0: {  	v1 =	vor.u32 v1, v2;
	(pc) =	sbr.rel @p3 .LBB2_12-.Ltmp9, $3  }
0xc1: {  	[tilespmem:s3+$0x0] =	vst.msk vm0, v1;
	s3 =	sadd.s32 $0x10, s3;
	vm0 =	vmmov vm1  }
0xc2: {  	v1 =	vld.msk [tilespmem:s3+$0x0 ss:$0x1], vm1;
	_ =	sdelay $0x1  }
0xc3: {  	s25 =	sadd.s32 $0xFFFFFFF0, s25  }
.LBB2_13:
0xc4: {  	_ =	sdelay $0x2  }
0xc5: {  	v2 =	vshrl.u32 v1, $0x3  }
0xc6: {  	v1 =	vshll.u32 v1, $0x4;
	v2 =	vmul.u32 $0x280, v2  }
0xc7: {  	v1 =	vand.u32 $0x70, v1  }
0xc8: {  	v1 =	vor.u32 v1, v2  }
0xc9: {  	[tilespmem:s3+$0x0] =	vst.msk vm0, v1  }
.LBB2_14:
0xca: {  	s2 =	sand.u32 $0x1, s20  }
0xcb: {  	p3 =	sne.s32 s26, $0xFFFFFFFF;
	s3 =	sshll.u32 s2, $0x5  }
0xcc: {  	v1 =	vld.msk @!p3 [tilespmem:s3+$0xE1A8], $0x1;
	_ =	sdelay $0x4  }
0xcd: {  	(v2sf) =	vpush @!p3 v1, $0x0;
	_ =	sdelay $0xc  }
.Ltmp10:
0xce: {  	_ = 	snop;
	(pc) =	sbr.rel @p2 .LBB2_31-.Ltmp10, $4  }
0xcf: {  	_ = 	snop  }
0xd0: {  	s29 =	spop @!p3 (v2sf)  }
0xd1: {  	s23 =	simm.s32 @!p3 $0x0;
	s25 =	smov.u32 s29  }
0xd2: {  	[sflag:s9] =	ssyncpa.u1 $0x0;
	s29 =	smov.u32 @p3 s4;
	s25 =	smov.u32 @p3 s26  }
0xd3: {  	v1 =	vld.msk [tilespmem:s30+$0x0], $0x1;
	_ =	sdelay $0x4  }
0xd4: {  	(v2sf) =	vpush v1, $0x0;
	_ =	sdelay $0xe  }
0xd5: {  	s2 =	smul.u32 $0x14000, s0;
	s0 =	spop (v2sf)  }
0xd6: {  	s26 =	simm.s32 $0x0;
	p2 =	seq.s32 s29, s0  }
0xd7: {  	s2 =	sshrl.u32 s2, $0x2;
	p3 =	sgt.s32 @!p2 s29, $0x0;
	s4 =	smul.u32 @!p2 $0x900, s26  }
0xd8: {  	s28 =	sadd.s32 $0xE1E8, s2;
	s2 =	smov.u32 s29;
	p3 =	por !p3, p2  }
0xd9: {  	s8 =	smov.u32 s7;
	s2 =	simm.s32 @p3 $0x0;
	s7 =	sshra.s32 @!p2 s4, $0x2  }
0xda: {  	s31 =	sadd.s32 $0xE1A8, s3;
	s2 =	smin.u32 @!p2 s2, $0x3C78;
	s3 =	sadd.s32 @!p2 $0x4EC8, s7  }
0xdb: {  	s5 =	sand.u32 @!p2 $0x3FF8, s2;
	s14 =	sadd.s32 @!p2 $0x80, s2;
	s9 =	sadd.s32 @!p2 $0x100, s2  }
0xdc: {  	s10 =	sadd.s32 @!p2 s1, s5;
	s5 =	sand.u32 @!p2 $0x7, s2;
	s14 =	sand.u32 @!p2 $0x7FF8, s14  }
0xdd: {  	[tilespmem:s3], [sflag:$0x2] =	stream.linear.gather @!p2 [hbm4b:s10+s5], $0x80, $0x38;
	[tilespmem:$0x181E8] =	vst v63  }
0xde: {  	s4 =	sadd.s32 @!p2 $0x4F48, s7;
	s9 =	sand.u32 @!p2 $0x7FF8, s9;
	s3 =	sadd.s32 @!p2 s1, s14  }
0xdf: {  	[tilespmem:s4], [sflag:$0x2] =	stream.linear.gather @!p2 [hbm4b:s3+s5], $0x80, $0x38;
	[tilespmem:$0x181E8] =	vst v63  }
0xe0: {  	s3 =	sadd.s32 @!p2 s1, s9;
	s4 =	sadd.s32 @!p2 $0x4FC8, s7  }
0xe1: {  	[tilespmem:s4], [sflag:$0x2] =	stream.linear.gather @!p2 [hbm4b:s3+s5], $0x80, $0x38;
	[tilespmem:$0x181E8] =	vst v63  }
0xe2: {  	s4 =	sadd.s32 $0xFFFFFFFF, s24  }
0xe3: {  	s10 =	sadd.s32 @!p2 $0x180, s2;
	p3 =	sne.s32 s4, $0x0  }
.Ltmp11:
0xe4: {  	s9 =	sand.u32 @!p2 $0x7FF8, s10;
	(pc) =	sbr.rel @!p3 .LBB2_17-.Ltmp11, $4  }
0xe5: {  	s3 =	sadd.s32 @!p2 s1, s9;
	s9 =	sadd.s32 @!p2 $0x5048, s7  }
0xe6: {  	[tilespmem:s9], [sflag:$0x2] =	stream.linear.gather @!p2 [hbm4b:s3+s5], $0x80, $0x38;
	[tilespmem:$0x181E8] =	vst v63  }
0xe7: {  	s2 =	sadd.s32 @!p2 $0x200, s2;
	s3 =	simm.s32 @!p2 $0x1  }
0xe8: {  	s14 =	sand.u32 @!p2 $0x7FF8, s2;
	s2 =	sadd.s32 @!p2 $0x50C8, s7;
	s3 =	smov.u32 @p2 s26  }
.LBB2_16:
0xe9: {  	s7 =	smov.u32 s3  }
0xea: {  	s4 =	sadd.s32 $0xFFFFFFFF, s4;
	s3 =	sadd.s32 @!p2 s1, s14;
	s30 =	sadd.s32 $0x1, s30  }
0xeb: {  	[tilespmem:s2], [sflag:$0x2] =	stream.linear.gather @!p2 [hbm4b:s3+s5], $0x40, $0x38;
	[tilespmem:$0x181E8] =	vst v63  }
0xec: {  	p3 =	sne.s32 s4, $0x0;
	s2 =	smov.u32 s0;
	v1 =	vld.msk [tilespmem:s30+$0x0], $0x1;
	_ =	sdelay $0x4  }
0xed: {  	(v2sf) =	vpush v1, $0x0;
	_ =	sdelay $0xe  }
0xee: {  	s0 =	spop (v2sf)  }
0xef: {  	p2 =	seq.s32 s2, s0  }
0xf0: {  	p4 =	sgt.s32 @!p2 s2, $0x0;
	s5 =	smul.u32 @!p2 $0x900, s7;
	s3 =	sadd.s32 @!p2 $0x1, s7  }
0xf1: {  	p4 =	por !p4, p2;
	s3 =	smov.u32 @p2 s7  }
0xf2: {  	s2 =	simm.s32 @p4 $0x0;
	s7 =	sshra.s32 @!p2 s5, $0x2  }
0xf3: {  	s2 =	smin.u32 @!p2 s2, $0x3C78;
	s9 =	sadd.s32 @!p2 $0x4EC8, s7;
	s10 =	sadd.s32 @!p2 $0x4F48, s7  }
0xf4: {  	s5 =	sand.u32 @!p2 $0x3FF8, s2;
	s14 =	sadd.s32 @!p2 $0x80, s2;
	s11 =	sadd.s32 @!p2 $0x100, s2  }
0xf5: {  	s13 =	sadd.s32 @!p2 s1, s5;
	s5 =	sand.u32 @!p2 $0x7, s2;
	s14 =	sand.u32 @!p2 $0x7FF8, s14  }
0xf6: {  	[tilespmem:s9], [sflag:$0x2] =	stream.linear.gather @!p2 [hbm4b:s13+s5], $0x80, $0x38;
	[tilespmem:$0x181E8] =	vst v63  }
0xf7: {  	s11 =	sand.u32 @!p2 $0x7FF8, s11;
	s9 =	sadd.s32 @!p2 s1, s14;
	s13 =	sadd.s32 @!p2 $0x180, s2  }
0xf8: {  	[tilespmem:s10], [sflag:$0x2] =	stream.linear.gather @!p2 [hbm4b:s9+s5], $0x80, $0x38;
	[tilespmem:$0x181E8] =	vst v63  }
0xf9: {  	s9 =	sadd.s32 @!p2 s1, s11  }
.Ltmp12:
0xfa: {  	s10 =	sadd.s32 @!p2 $0x4FC8, s7;
	s11 =	sand.u32 @!p2 $0x7FF8, s13;
	(pc) =	sbr.rel @p3 .LBB2_16-.Ltmp12, $4  }
0xfb: {  	[tilespmem:s10], [sflag:$0x2] =	stream.linear.gather @!p2 [hbm4b:s9+s5], $0x80, $0x38;
	[tilespmem:$0x181E8] =	vst v63  }
0xfc: {  	s2 =	sadd.s32 @!p2 $0x200, s2;
	s9 =	sadd.s32 @!p2 s1, s11;
	s10 =	sadd.s32 @!p2 $0x5048, s7  }
0xfd: {  	[tilespmem:s10], [sflag:$0x2] =	stream.linear.gather @!p2 [hbm4b:s9+s5], $0x80, $0x38;
	[tilespmem:$0x181E8] =	vst v63  }
0xfe: {  	s14 =	sand.u32 @!p2 $0x7FF8, s2;
	s2 =	sadd.s32 @!p2 $0x50C8, s7  }
.LBB2_17:
0xff: {  	s0 =	sadd.s32 @!p2 s1, s14;
	s3 =	smul.u32 $0x900, s3  }
0x100: {  	[tilespmem:s2], [sflag:$0x2] =	stream.linear.gather @!p2 [hbm4b:s0+s5], $0x40, $0x38;
	[tilespmem:$0x181E8] =	vst v63  }
.Ltmp13:
0x101: {  	_ = 	snop;
	(pc) =	sbr.rel .LBB2_18-.Ltmp13, $4  }
0x102: {  	s30 =	simm.s32 $0x2;
	s14 =	sshrl.u32 s3, $0x2  }
0x103: {  	v1 =	vmov s31;
	s31 =	simm.s32 $0x0;
	_ =	swait.ge [sflag:s30], s14  }
0x104: {  	s7 =	smov.u32 s8;
	s0 =	ssub.s32 $0x0, s14;
	[sflag:s30] =	ssyncset.done $0x0  }
0x105: {  	s9 =	simm.s32 $0xC;
	[sflag:s30] =	ssyncadd.s32 s0;
	s0 =	simm.s32 $0x0  }
.LBB2_28:
0x106: {  	[tilespmem:s2+$0x0] =	vst v2;
	s26 =	sadd.s32 $0x1, s26  }
.LBB2_29:
0x107: {  	s0 =	sadd.s32 $0x1, s0  }
0x108: {  	p2 =	sne.s32 s0, s24  }
.Ltmp14:
0x109: {  	_ = 	snop;
	(pc) =	sbr.rel @!p2 .LBB2_30-.Ltmp14, $2  }
0x10a: {  	_ =	sdelay $0x2  }
0x10b: {  	s28 =	sadd.s32 $0x280, s28;
	s29 =	smov.u32 s30  }
.LBB2_18:
0x10c: {  	_ =	sdelay $0x3  }
0x10d: {  	v2 =	vld.idx.msk [tilespmem:v1+s0+$0x0 ss:$0x1], $0x1;
	_ =	sdelay $0x4  }
0x10e: {  	(v2sf) =	vpush v2, $0x0;
	_ =	sdelay $0xe  }
0x10f: {  	s30 =	spop (v2sf)  }
0x110: {  	p2 =	sne.s32 s29, s30  }
.Ltmp15:
0x111: {  	_ = 	snop;
	(pc) =	sbr.rel @p2 .LBB2_22-.Ltmp15, $3  }
0x112: {  	_ = 	snop  }
0x113: {  	s2 =	smul.u32 $0x900, s23;
	_ =	sdelay $0x1  }
0x114: {  	s4 =	sshra.s32 s2, $0x2  }
0x115: {  	s2 =	sadd.s32 $0x488, s4;
	s3 =	simm.s32 $0x0;
	v2 =	vld [tilespmem:s28+$0x0];
	s4 =	smov.u32 s28  }
.LBB2_20:
0x116: {  	s3 =	sadd.s32 $0x10, s3  }
0x117: {  	p2 =	slt.u32 s3, $0x230  }
.Ltmp16:
0x118: {  	_ = 	snop;
	(pc) =	sbr.rel @p2 .LBB2_20-.Ltmp16, $3  }
0x119: {  	_ =	sdelay $0x1  }
0x11a: {  	s4 =	sadd.s32 $0x10, s4;
	[tilespmem:s2+$0x0] =	vst.add.f32.msk $0xffff, v2;
	s2 =	sadd.s32 $0x10, s2  }
0x11b: {  	v2 =	vld [tilespmem:s4+$0x0]  }
.Ltmp17:
0x11c: {  	_ = 	snop;
	(pc) =	sbr.rel .LBB2_29-.Ltmp17, $2  }
0x11d: {  	_ =	sdelay $0x2  }
0x11e: {  	[tilespmem:s2+$0x0] =	vst.add.f32.msk $0xffff, v2  }
.LBB2_22:
0x11f: {  	p2 =	seq.s32 s29, s25  }
.Ltmp18:
0x120: {  	_ = 	snop;
	(pc) =	sbr.rel @!p2 .LBB2_23-.Ltmp18, $1  }
0x121: {  	_ =	sdelay $0x3  }
.Ltmp19:
0x122: {  	s2 =	sadd.s32 $0x488, s4;
	(pc) =	sbr.rel .LBB2_26-.Ltmp19, $4  }
0x123: {  	[spmem:s15] =	stream.linear.scatter [tilespmem:s2], [sflag:$0x1], $0x240, $0x38;
	[tilespmem:$0x181E8] =	vst v63  }
0x124: {  	_ =	swait.ge [sflag:s16], $0x240  }
0x125: {  	[sflag:s16] =	ssyncset.done $0x0  }
0x126: {  	[sflag:s16] =	ssyncadd.s32 $0xFFFFFDC0  }
.LBB2_23:
0x127: {  	s2 =	smul.u32 $0x900, s26;
	_ =	sdelay $0x1  }
0x128: {  	s2 =	sshra.s32 s2, $0x2  }
0x129: {  	s3 =	sadd.s32 $0x488, s4;
	s5 =	sadd.s32 $0x4EC8, s2  }
0x12a: {  	s14 =	simm.s32 $0x0;
	s2 =	smov.u32 s3;
	v2 =	vld [tilespmem:s5+$0x0]  }
.LBB2_24:
0x12b: {  	s14 =	sadd.s32 $0x10, s14  }
0x12c: {  	p2 =	slt.u32 s14, $0x230  }
.Ltmp20:
0x12d: {  	_ = 	snop;
	(pc) =	sbr.rel @p2 .LBB2_24-.Ltmp20, $3  }
0x12e: {  	_ =	sdelay $0x1  }
0x12f: {  	s5 =	sadd.s32 $0x10, s5;
	[tilespmem:s2+$0x0] =	vst.add.f32.msk $0xffff, v2;
	s2 =	sadd.s32 $0x10, s2  }
0x130: {  	v2 =	vld [tilespmem:s5+$0x0]  }
0x131: {  	_ =	sdelay $0x1  }
0x132: {  	p2 =	sgt.u32 s29, $0x3C78  }
0x133: {  	s5 =	sand.u32 @!p2 $0x3FF8, s29  }
0x134: {  	[tilespmem:s2+$0x0] =	vst.add.f32.msk $0xffff, v2;
	s2 =	sadd.s32 @!p2 s1, s5;
	s5 =	sand.u32 @!p2 $0x7, s29  }
0x135: {  	[hbm4b:s2+s5] =	stream.linear.scatter @!p2 [tilespmem:s3], [sflag:$0xC], $0x80, $0x38;
	[tilespmem:$0x181E8] =	vst v63  }
0x136: {  	s2 =	sadd.s32 @!p2 $0x80, s29  }
0x137: {  	s2 =	sand.u32 @!p2 $0x7FF8, s2  }
0x138: {  	s3 =	sadd.s32 @!p2 $0x508, s4;
	s2 =	sadd.s32 @!p2 s1, s2  }
0x139: {  	[hbm4b:s2+s5] =	stream.linear.scatter @!p2 [tilespmem:s3], [sflag:$0xC], $0x80, $0x38;
	[tilespmem:$0x181E8] =	vst v63  }
0x13a: {  	s2 =	sadd.s32 @!p2 $0x100, s29  }
0x13b: {  	s2 =	sand.u32 @!p2 $0x7FF8, s2  }
0x13c: {  	s3 =	sadd.s32 @!p2 $0x588, s4;
	s2 =	sadd.s32 @!p2 s1, s2  }
0x13d: {  	[hbm4b:s2+s5] =	stream.linear.scatter @!p2 [tilespmem:s3], [sflag:$0xC], $0x80, $0x38;
	[tilespmem:$0x181E8] =	vst v63  }
0x13e: {  	s2 =	sadd.s32 @!p2 $0x180, s29  }
0x13f: {  	s2 =	sand.u32 @!p2 $0x7FF8, s2  }
0x140: {  	s3 =	sadd.s32 @!p2 $0x608, s4;
	s2 =	sadd.s32 @!p2 s1, s2  }
0x141: {  	[hbm4b:s2+s5] =	stream.linear.scatter @!p2 [tilespmem:s3], [sflag:$0xC], $0x80, $0x38;
	[tilespmem:$0x181E8] =	vst v63  }
0x142: {  	s2 =	sadd.s32 @!p2 $0x200, s29;
	s3 =	simm.s32 $0x0  }
0x143: {  	s2 =	sand.u32 @!p2 $0x7FF8, s2;
	s3 =	simm.s32 @!p2 $0x900  }
0x144: {  	s4 =	sadd.s32 @!p2 $0x688, s4;
	s2 =	sadd.s32 @!p2 s1, s2;
	s31 =	sadd.s32 s3, s31  }
0x145: {  	[hbm4b:s2+s5] =	stream.linear.scatter @!p2 [tilespmem:s4], [sflag:$0xC], $0x40, $0x38;
	[tilespmem:$0x181E8] =	vst v63  }
.LBB2_26:
0x146: {  	s2 =	sadd.s32 $0x1, s23  }
0x147: {  	s23 =	sand.u32 $0x1F, s2  }
0x148: {  	s2 =	smul.u32 $0x900, s23;
	_ =	sdelay $0x1  }
0x149: {  	s2 =	sshrl.u32 s2, $0x2  }
0x14a: {  	s3 =	simm.s32 $0x0;
	v2 =	vld [tilespmem:s28+$0x0];
	s4 =	smov.u32 s28;
	s2 =	sadd.s32 $0x488, s2  }
.LBB2_27:
0x14b: {  	s3 =	sadd.s32 $0x10, s3  }
0x14c: {  	p2 =	slt.u32 s3, $0x230  }
.Ltmp21:
0x14d: {  	_ = 	snop;
	(pc) =	sbr.rel @p2 .LBB2_27-.Ltmp21, $3  }
0x14e: {  	_ =	sdelay $0x1  }
0x14f: {  	[tilespmem:s2+$0x0] =	vst v2;
	s2 =	sadd.s32 $0x10, s2;
	s4 =	sadd.s32 $0x10, s4  }
0x150: {  	v2 =	vld [tilespmem:s4+$0x0]  }
.Ltmp22:
0x151: {  	_ = 	snop;
	(pc) =	sbr.rel .LBB2_28-.Ltmp22, $1  }
0x152: {  	_ =	sdelay $0x3  }
.LBB2_31:
.Ltmp23:
0x153: {  	(pc) =	sbr.rel .LBB2_32-.Ltmp23, $4  }
0x154: {  	_ = 	snop  }
0x155: {  	s0 =	simm.s32 $0x2  }
0x156: {  	_ =	swait.ge [sflag:s0], $0x0  }
0x157: {  	s30 =	smov.u32 s29;
	[sflag:s0] =	ssyncset.done $0x0;
	s0 =	simm.s32 $0x0  }
.LBB2_34:
0x158: {  	_ =	sfence.sel $0x180000  }
0x159: {  	s0 =	simm.s32 $0x9;
	[bflag:$0x0] =	sbarrier.arrive $0xFFFF  }
0x15a: {  	s24 =	simm.s32 $0xA;
	[sflag:s0] =	ssyncpa.u1 $0x1  }
0x15b: {  	s25 =	simm.s32 $0xB;
	[sflag:s24] =	ssyncpa.u1 $0x1  }
0x15c: {  	s26 =	simm.s32 $0x2;
	[sflag:s25] =	ssyncpa.u1 $0x1  }
0x15d: {  	[sflag:s26] =	ssyncpa.u1 $0x1  }
0x15e: {  	v0 =	vld [tilespmem:$0x9908];
	_ =	sdelay $0x4  }
0x15f: {  	(v2sf) =	vpush v0, $0x0  }
0x160: {  	(v2sf) =	vpush v0, $0x1  }
0x161: {  	(v2sf) =	vpush v0, $0x2;
	_ =	sdelay $0xc  }
0x162: {  	s0 =	spop (v2sf)  }
0x163: {  	s2 =	spop (v2sf)  }
0x164: {  	s3 =	smov.u32 s0;
	p0 =	sne.s32 s0, s2;
	s4 =	spop (v2sf)  }
0x165: {  	s3 =	simm.s32 @!p0 $0xFFFFFFFF;
	p0 =	seq.s32 s4, $0xFFFFFFFF  }
0x166: {  	v2 =	vimm.s32 $0x1;
	v3 =	vlaneseq.u32;
	v1 =	vmov s3;
	p1 =	sne.s32 @!p0 s0, s2  }
0x167: {  	s18 =	stileid.u32;
	v0 =	vperm.xlane v0, v2;
	s0 =	simm.s32 @!p0 $0x1;
	v1 =	vperm.xlane v1, v3;
	p1 =	por !p1, p0  }
0x168: {  	vm0 =	vcmask $0x3F04;
	s3 =	sshll.u32 s18, $0x1;
	s2 =	smul.u32 @!p0 $0x900, s4;
	s0 =	simm.s32 @p1 $0x0  }
0x169: {  	s6 =	simm.s32 $0x9908;
	v0 =	vsel vm0, v1, v0;
	s0 =	sor.u32 @!p0 s0, s3  }
0x16a: {  	s5 =	sor.u32 $0x4800, s3;
	s2 =	sshra.s32 @!p0 s2, $0x2;
	[tilespmem:$0x9908] =	vst v0;
	s0 =	smul.u32 @!p0 $0x900, s0  }
0x16b: {  	[spmem:s5] =	stream.linear.scatter [tilespmem:s6], [sflag:$0x1], $0x2, $0x38;
	[tilespmem:$0x181E8] =	vst v63  }
0x16c: {  	s2 =	sadd.s32 @!p0 $0x488, s2;
	s0 =	sshrl.u32 @!p0 s0, $0x2  }
0x16d: {  	[spmem:s0] =	stream.linear.scatter @!p0 [tilespmem:s2], [sflag:$0x1], $0x240, $0x38;
	[tilespmem:$0x181E8] =	vst v63  }
0x16e: {  	s0 =	simm.s32 @!p0 $0x242  }
0x16f: {  	s28 =	simm.s32 $0x1;
	s0 =	simm.s32 @p0 $0x2  }
0x170: {  	_ =	swait.ge [sflag:s28], s0  }
0x171: {  	s0 =	ssub.s32 $0x0, s0;
	[sflag:s28] =	ssyncset.done $0x0  }
0x172: {  	p0 =	sne.s32 s18, $0x0;
	[sflag:s28] =	ssyncadd.s32 s0  }
.Ltmp24:
0x173: {  	_ =	sfence.stream.spmem;
	(pc) =	sbr.rel @p0 .LBB2_59-.Ltmp24, $4  }
0x174: {  	s29 =	simm.s32 $0x3;
	[bflag:$0x0] =	sbarrier.arrive $0xFFFF  }
0x175: {  	s30 =	simm.s32 $0x4;
	[sflag:s29] =	ssyncpa.u1 $0x1  }
0x176: {  	s31 =	simm.s32 $0x3C;
	[sflag:s30] =	ssyncpa.u1 $0x1  }
0x177: {  	s17 =	rddreg [dreg:$0x5];
	[sflag:s31] =	ssyncpa.u1 $0x1  }
0x178: {  	_ =	sfence.stream.spmem;
	s0 =	simm.s32 $0x5  }
0x179: {  	s2 =	simm.s32 $0x4800;
	s3 =	simm.s32 $0x9918;
	[sflag:s0] =	ssyncpa.u1 $0x0  }
0x17a: {  	[tilespmem:s3], [sflag:$0x5] =	stream.linear.gather [spmem:s2], $0x20, $0x38;
	[tilespmem:$0x181E8] =	vst v63  }
0x17b: {  	s26 =	simm.s32 $0x0;
	s28 =	simm.s32 $0x9938  }
0x17c: {  	[tilespmem:s28], [sflag:$0x5] =	stream.linear.gather [spmem:s26], $0x4800, $0x38;
	[tilespmem:$0x181E8] =	vst v63  }
0x17d: {  	_ =	swait.ge [sflag:s0], $0x4820  }
0x17e: {  	[sflag:s0] =	ssyncset.done $0x0  }
0x17f: {  	s29 =	simm.s32 $0x0;
	[sflag:s0] =	ssyncadd.s32 $0xFFFFB7E0  }
0x180: {  	v0 =	vld.msk [tilespmem:s29+$0x9918], $0x1;
	_ =	sdelay $0x1  }
0x181: {  	s30 =	simm.s32 $0x1  }
0x182: {  	v1 =	vld.msk [tilespmem:s30+$0x9918], $0x1;
	_ =	sdelay $0x1  }
0x183: {  	(v2sf) =	vpush v0, $0x0;
	_ =	sdelay $0x2  }
0x184: {  	(v2sf) =	vpush v1, $0x0;
	_ =	sdelay $0x2  }
0x185: {  	s31 =	simm.s32 $0x2  }
0x186: {  	v0 =	vld.msk [tilespmem:s31+$0x9918], $0x1;
	_ =	sdelay $0x2  }
0x187: {  	s4 =	simm.s32 $0xFFFFFFFF;
	s3 =	simm.s32 $0xFFFFFFFF;
	s0 =	simm.s32 $0xC  }
.LBB2_36:
0x188: {  	s2 =	smov.u32 s4;
	s5 =	smov.u32 s3  }
0x189: {  	s3 =	sshra.s32 s0, $0x2;
	p1 =	sne.s32 s0, $0x7C;
	s0 =	sadd.s32 $0x4, s0;
	(v2sf) =	vpush v0, $0x0  }
0x18a: {  	v0 =	vld.msk [tilespmem:s3+$0x9918], $0x1  }
.Ltmp25:
0x18b: {  	(pc) =	sbr.rel @p1 .LBB2_36-.Ltmp25, $4  }
0x18c: {  	s4 =	spop (v2sf)  }
0x18d: {  	p2 =	sne.s32 s5, $0xFFFFFFFF;
	s3 =	smov.u32 s4  }
0x18e: {  	p3 =	seq.s32 s4, $0xFFFFFFFF;
	s3 =	smov.u32 @p2 s5  }
0x18f: {  	s4 =	smov.u32 @p3 s2;
	s3 =	smov.u32 @p3 s5  }
0x190: {  	(v2sf) =	vpush v0, $0x0;
	_ =	sdelay $0x7  }
0x191: {  	s0 =	spop (v2sf)  }
0x192: {  	p1 =	sne.s32 s3, $0xFFFFFFFF;
	s9 =	simm.s32 $0x6;
	s6 =	simm.s32 $0x0  }
0x193: {  	s10 =	simm.s32 $0x9938;
	s11 =	simm.s32 $0x9748;
	s2 =	smov.u32 s0  }
0x194: {  	s12 =	simm.s32 $0x97C8;
	p2 =	seq.s32 s0, $0xFFFFFFFF;
	s2 =	smov.u32 @p1 s3  }
0x195: {  	s13 =	simm.s32 $0x9848;
	s2 =	smov.u32 @p2 s3;
	s3 =	spop (v2sf)  }
0x196: {  	s0 =	smov.u32 @p2 s4;
	p1 =	sne.s32 s2, $0xFFFFFFFF;
	s5 =	smov.u32 s3  }
.Ltmp26:
0x197: {  	p2 =	seq.s32 s3, $0xFFFFFFFF;
	s5 =	smov.u32 @p1 s2;
	(pc) =	sbr.rel .LBB2_38-.Ltmp26, $4  }
0x198: {  	s14 =	simm.s32 $0x98C8;
	s5 =	smov.u32 @p2 s2;
	s7 =	spop (v2sf)  }
0x199: {  	s15 =	simm.s32 $0x0;
	p1 =	sne.s32 s5, $0xFFFFFFFF;
	s8 =	smov.u32 s7  }
0x19a: {  	s3 =	smov.u32 @p2 s0;
	p2 =	seq.s32 s7, $0xFFFFFFFF;
	s8 =	smov.u32 @p1 s5  }
0x19b: {  	[sflag:s9] =	ssyncpa.u1 $0x0;
	s7 =	smov.u32 @p2 s3;
	s8 =	smov.u32 @p2 s5  }
.LBB2_53:
0x19c: {  	s15 =	sadd.s32 $0x1, s15  }
0x19d: {  	p1 =	sne.s32 s15, $0x20  }
.Ltmp27:
0x19e: {  	_ = 	snop;
	(pc) =	sbr.rel @!p1 .LBB2_54-.Ltmp27, $2  }
0x19f: {  	_ =	sdelay $0x2  }
0x1a0: {  	s10 =	sadd.s32 $0x240, s10  }
.LBB2_38:
0x1a1: {  	v0 =	vld.msk [tilespmem:s15+$0x9918], $0x1;
	_ =	sdelay $0x4  }
0x1a2: {  	(v2sf) =	vpush v0, $0x0;
	_ =	sdelay $0xe  }
0x1a3: {  	s0 =	spop (v2sf)  }
0x1a4: {  	p1 =	seq.s32 s0, $0xFFFFFFFF  }
.Ltmp28:
0x1a5: {  	_ = 	snop;
	(pc) =	sbr.rel @p1 .LBB2_53-.Ltmp28, $1  }
0x1a6: {  	_ =	sdelay $0x3  }
0x1a7: {  	p1 =	slt.s32 s6, $0x1  }
.Ltmp29:
0x1a8: {  	_ = 	snop;
	(pc) =	sbr.rel @p1 .LBB2_46-.Ltmp29, $1  }
0x1a9: {  	_ =	sdelay $0x3  }
0x1aa: {  	s4 =	simm.s32 $0x9918;
	p1 =	por $0x0, $0x0  }
0x1ab: {  	v1 =	vld.msk @!p1 [tilespmem:s4+$0x0], $0x1;
	_ =	sdelay $0x4  }
0x1ac: {  	(v2sf) =	vpush @!p1 v1, $0x0;
	_ =	sdelay $0xd  }
0x1ad: {  	p3 =	sne.s32 s6, $0x1  }
.Ltmp30:
0x1ae: {  	s2 =	spop @!p1 (v2sf);
	(pc) =	sbr.rel @!p3 .LBB2_42-.Ltmp30, $4  }
0x1af: {  	p2 =	seq.s32 @!p1 s0, s2  }
0x1b0: {  	s3 =	simm.s32 $0x0;
	p2 =	por !p2, p1  }
0x1b1: {  	s2 =	simm.s32 $0xFFFFFFFF;
	s3 =	simm.s32 @p2 $0xFFFFFFFF  }
0x1b2: {  	s5 =	simm.s32 $0x1;
	s3 =	smov.u32 @p1 s2  }
.LBB2_41:
0x1b3: {  	s2 =	smov.u32 s3;
	p1 =	sne.s32 s3, $0xFFFFFFFF  }
0x1b4: {  	s4 =	sadd.s32 $0x1, s4;
	s3 =	smov.u32 s5;
	s5 =	sadd.s32 $0x1, s5  }
0x1b5: {  	p2 =	sne.s32 s6, s5;
	v1 =	vld.msk @!p1 [tilespmem:s4+$0x0], $0x1;
	_ =	sdelay $0x4  }
0x1b6: {  	(v2sf) =	vpush @!p1 v1, $0x0;
	_ =	sdelay $0xe  }
.Ltmp31:
0x1b7: {  	s16 =	spop @!p1 (v2sf);
	(pc) =	sbr.rel @p2 .LBB2_41-.Ltmp31, $4  }
0x1b8: {  	p3 =	seq.s32 @!p1 s0, s16  }
0x1b9: {  	p3 =	por !p3, p1  }
0x1ba: {  	s3 =	simm.s32 @p3 $0xFFFFFFFF  }
0x1bb: {  	s3 =	smov.u32 @p1 s2  }
.LBB2_42:
0x1bc: {  	p1 =	seq.s32 s3, $0xFFFFFFFF  }
.Ltmp32:
0x1bd: {  	_ = 	snop;
	(pc) =	sbr.rel @p1 .LBB2_46-.Ltmp32, $1  }
0x1be: {  	_ =	sdelay $0x3  }
0x1bf: {  	s0 =	smul.u32 $0x900, s3;
	_ =	sdelay $0x1  }
0x1c0: {  	s0 =	sshra.s32 s0, $0x2  }
0x1c1: {  	s2 =	simm.s32 $0x0;
	v0 =	vld [tilespmem:s10+$0x0];
	s3 =	smov.u32 s10;
	s0 =	sadd.s32 $0x9938, s0  }
.LBB2_44:
0x1c2: {  	s2 =	sadd.s32 $0x10, s2  }
0x1c3: {  	p1 =	slt.u32 s2, $0x230  }
.Ltmp33:
0x1c4: {  	_ = 	snop;
	(pc) =	sbr.rel @p1 .LBB2_44-.Ltmp33, $3  }
0x1c5: {  	_ =	sdelay $0x1  }
0x1c6: {  	s3 =	sadd.s32 $0x10, s3;
	[tilespmem:s0+$0x0] =	vst.add.f32.msk $0xffff, v0;
	s0 =	sadd.s32 $0x10, s0  }
0x1c7: {  	v0 =	vld [tilespmem:s3+$0x0]  }
.Ltmp34:
0x1c8: {  	_ = 	snop;
	(pc) =	sbr.rel .LBB2_53-.Ltmp34, $2  }
0x1c9: {  	_ =	sdelay $0x2  }
0x1ca: {  	[tilespmem:s0+$0x0] =	vst.add.f32.msk $0xffff, v0  }
.LBB2_46:
0x1cb: {  	p1 =	sgt.u32 s0, $0x3C78  }
0x1cc: {  	p2 =	seq.s32 @!p1 s0, s8  }
0x1cd: {  	p1 =	por p1, p2  }
0x1ce: {  	p2 =	seq.s32 @!p1 s0, s7  }
0x1cf: {  	p1 =	por p1, p2  }
.Ltmp35:
0x1d0: {  	_ = 	snop;
	(pc) =	sbr.rel @p1 .LBB2_50-.Ltmp35, $1  }
0x1d1: {  	_ =	sdelay $0x3  }
0x1d2: {  	s2 =	sand.u32 $0x3FF8, s0;
	s4 =	sand.u32 $0x7, s0  }
0x1d3: {  	s3 =	simm.s32 $0x96C8;
	s28 =	sadd.s32 $0x80, s0;
	s2 =	sadd.s32 s1, s2  }
0x1d4: {  	[tilespmem:s3], [sflag:$0x6] =	stream.linear.gather [hbm4b:s2+s4], $0x80, $0x38;
	[tilespmem:$0x181E8] =	vst v63  }
0x1d5: {  	s2 =	sand.u32 $0x7FF8, s28  }
0x1d6: {  	s29 =	sadd.s32 $0x100, s0;
	s2 =	sadd.s32 s1, s2  }
0x1d7: {  	[tilespmem:s11], [sflag:$0x6] =	stream.linear.gather [hbm4b:s2+s4], $0x80, $0x38;
	[tilespmem:$0x181E8] =	vst v63  }
0x1d8: {  	s2 =	sand.u32 $0x7FF8, s29  }
0x1d9: {  	s30 =	sadd.s32 $0x180, s0;
	s2 =	sadd.s32 s1, s2  }
0x1da: {  	[tilespmem:s12], [sflag:$0x6] =	stream.linear.gather [hbm4b:s2+s4], $0x80, $0x38;
	[tilespmem:$0x181E8] =	vst v63  }
0x1db: {  	s31 =	sadd.s32 $0x200, s0;
	s2 =	sand.u32 $0x7FF8, s30  }
0x1dc: {  	s0 =	sand.u32 $0x7FF8, s31;
	s2 =	sadd.s32 s1, s2  }
0x1dd: {  	[tilespmem:s13], [sflag:$0x6] =	stream.linear.gather [hbm4b:s2+s4], $0x80, $0x38;
	[tilespmem:$0x181E8] =	vst v63  }
0x1de: {  	s0 =	sadd.s32 s1, s0  }
0x1df: {  	[tilespmem:s14], [sflag:$0x6] =	stream.linear.gather [hbm4b:s0+s4], $0x40, $0x38;
	[tilespmem:$0x181E8] =	vst v63  }
0x1e0: {  	_ =	swait.ge [sflag:s9], $0x240  }
0x1e1: {  	[sflag:s9] =	ssyncset.done $0x0  }
0x1e2: {  	[sflag:s9] =	ssyncadd.s32 $0xFFFFFDC0  }
0x1e3: {  	s2 =	smov.u32 s10;
	s0 =	simm.s32 $0x0;
	v1 =	vld [tilespmem:s3+$0x0]  }
.LBB2_48:
0x1e4: {  	s0 =	sadd.s32 $0x10, s0  }
0x1e5: {  	p1 =	slt.u32 s0, $0x230  }
.Ltmp36:
0x1e6: {  	_ = 	snop;
	(pc) =	sbr.rel @p1 .LBB2_48-.Ltmp36, $3  }
0x1e7: {  	_ =	sdelay $0x1  }
0x1e8: {  	s3 =	sadd.s32 $0x10, s3;
	[tilespmem:s2+$0x0] =	vst.add.f32.msk $0xffff, v1;
	s2 =	sadd.s32 $0x10, s2  }
0x1e9: {  	v1 =	vld [tilespmem:s3+$0x0]  }
0x1ea: {  	_ =	sdelay $0x3  }
0x1eb: {  	[tilespmem:s2+$0x0] =	vst.add.f32.msk $0xffff, v1  }
.LBB2_50:
0x1ec: {  	s0 =	smul.u32 $0x900, s6;
	_ =	sdelay $0x1  }
0x1ed: {  	[tilespmem:s6+$0x9918] =	vst.msk $0x1, v0;
	s0 =	sshra.s32 s0, $0x2  }
0x1ee: {  	s2 =	simm.s32 $0x0;
	s3 =	smov.u32 s10;
	v0 =	vld [tilespmem:s10+$0x0];
	s0 =	sadd.s32 $0x9938, s0  }
.LBB2_51:
0x1ef: {  	s2 =	sadd.s32 $0x10, s2  }
0x1f0: {  	p1 =	slt.u32 s2, $0x230  }
.Ltmp37:
0x1f1: {  	_ = 	snop;
	(pc) =	sbr.rel @p1 .LBB2_51-.Ltmp37, $3  }
0x1f2: {  	_ =	sdelay $0x1  }
0x1f3: {  	s3 =	sadd.s32 $0x10, s3;
	[tilespmem:s0+$0x0] =	vst v0;
	s0 =	sadd.s32 $0x10, s0  }
0x1f4: {  	v0 =	vld [tilespmem:s3+$0x0]  }
.Ltmp38:
0x1f5: {  	_ = 	snop;
	(pc) =	sbr.rel .LBB2_53-.Ltmp38, $2  }
0x1f6: {  	_ =	sdelay $0x2  }
0x1f7: {  	s6 =	sadd.s32 $0x1, s6;
	[tilespmem:s0+$0x0] =	vst v0  }
.LBB2_54:
0x1f8: {  	s0 =	simm.s32 $0x6;
	p1 =	seq.s32 s6, $0x0  }
0x1f9: {  	[sflag:s0] =	ssyncpa.u1 $0x1;
	v0 =	vimm.s32 @p1 $0xFFFFFFFF  }
0x1fa: {  	s0 =	sadd.s32 $0xFFFFFFFF, s6;
	[tilespmem:$0xE138] =	vst @p1 v0  }
0x1fb: {  	v0 =	vld.msk @!p1 [tilespmem:s0+$0x9918], $0x1;
	_ =	sdelay $0x1  }
0x1fc: {  	v1 =	vld.msk @!p1 [tilespmem:$0x9918], $0x1;
	_ =	sdelay $0x2  }
0x1fd: {  	p2 =	seq.s32 @!p1 s0, $0x0;
	v0 =	vbroadcast @!p1 v0, $0x0  }
0x1fe: {  	vm0 =	vmmov @!p1 $0x1;
	p3 =	por !p2, p1  }
0x1ff: {  	p2 =	sne.s32 @!p1 s8, s7;
	v1 =	vnsel @!p1 vm0, $0xFFFFFFFF, v1;
	vm0 =	vcmask @!p1 $0x308;
	v0 =	vpsel !p3, $0xFFFFFFFF, v0  }
0x200: {  	p3 =	por !p2, p1;
	v0 =	vsel @!p1 vm0, v1, v0  }
0x201: {  	s2 =	simm.s32 @!p1 $0x9938;
	s3 =	simm.s32 @!p1 $0x0;
	s4 =	smul.u32 @!p3 $0x900, s0;
	[tilespmem:$0xE138] =	vst @!p1 v0  }
0x202: {  	[spmem:s3] =	stream.linear.scatter @!p1 [tilespmem:s2], [sflag:$0x1], $0x240, $0x38;
	[tilespmem:$0x181E8] =	vst v63  }
0x203: {  	s2 =	sshra.s32 @!p3 s4, $0x2  }
0x204: {  	s3 =	simm.s32 @!p3 $0x240;
	s2 =	sadd.s32 @!p3 $0x9938, s2  }
0x205: {  	[spmem:s3] =	stream.linear.scatter @!p3 [tilespmem:s2], [sflag:$0x1], $0x240, $0x38;
	[tilespmem:$0x181E8] =	vst v63  }
0x206: {  	s2 =	simm.s32 @!p3 $0x1  }
0x207: {  	_ =	swait.ge @!p3 [sflag:s2], $0x480  }
0x208: {  	p1 =	por p2, p1;
	[sflag:s2] =	ssyncset.done @!p3 $0x0  }
0x209: {  	[sflag:s2] =	ssyncadd.s32 @!p3 $0xFFFFFB80;
	s2 =	simm.s32 @!p1 $0x1  }
0x20a: {  	_ =	swait.ge @!p1 [sflag:s2], $0x240  }
0x20b: {  	s29 =	simm.s32 $0xE138;
	[sflag:s2] =	ssyncset.done @!p1 $0x0  }
0x20c: {  	s30 =	simm.s32 $0x4800;
	s31 =	simm.s32 $0x1;
	[sflag:s2] =	ssyncadd.s32 @!p1 $0xFFFFFDC0  }
0x20d: {  	[spmem:s30] =	stream.linear.scatter [tilespmem:s29], [sflag:$0x1], $0x10, $0x38;
	[tilespmem:$0x181E8] =	vst v63  }
0x20e: {  	_ =	swait.ge [sflag:s31], $0x10  }
0x20f: {  	[sflag:s31] =	ssyncset.done $0x0  }
0x210: {  	p1 =	seq.s32 s17, $0x0;
	s9 =	rddreg [dreg:$0x2];
	[sflag:s31] =	ssyncadd.s32 $0xFFFFFFF0  }
0x211: {  	s3 =	sshll.u32 @p1 s9, $0xE;
	s8 =	rddreg [dreg:$0x3]  }
0x212: {  	s2 =	sadd.s32 @p1 $0x15C3C, s3;
	s3 =	sshll.u32 @p1 s8, $0x11  }
0x213: {  	_ =	sfence.stream.spmem;
	s2 =	sor.u32 @p1 s3, s2  }
0x214: {  	[sflag:s2] =	ssyncadd.remote.s32 @p1 $0x1;
	s2 =	simm.s32 @p1 $0x4  }
0x215: {  	s4 =	simm.s32 @!p1 $0x3C;
	s3 =	sand.u32 $0xFFFFFFFE, s9;
	_ =	swait.ge @p1 [sflag:s2], $0x92  }
0x216: {  	s5 =	simm.s32 @!p1 $0x0;
	s3 =	sadd.s32 @!p1 $0x4, s3;
	[sflag:s2] =	ssyncset.done @p1 $0x0  }
0x217: {  	s7 =	simm.s32 @!p1 $0x480;
	[sflag:s2] =	ssyncadd.s32 @p1 $0xFFFFFF6E;
	s2 =	sshll.u32 @!p1 s3, $0x1A  }
0x218: {  	s3 =	sshll.u32 @!p1 s3, $0xD;
	s2 =	sor.u32 @!p1 s2, s8;
	_ =	swait.eq @!p1 [sflag:s4], $0x1  }
0x219: {  	s3 =	sor.u32 @!p1 $0x1C04, s3;
	s4 =	simm.s32 @!p1 $0x1C03;
	s2 =	sor.u32 @!p1 $0x80004000, s2  }
0x21a: {  	[spmem:s7], [sflag:s3] =	dma.general @!p1 [spmem:s5], [sflag:s4], length:$0x90, [dreg:$0x0], stride_count:$0x0, ici_dest:s2, dma_misc:DstOpCode:WRITE  }
0x21b: {  	p2 =	slt.s32 s0, $0x2;
	s5 =	simm.s32 @!p1 $0x900;
	s7 =	simm.s32 @!p1 $0x902  }
0x21c: {  	[spmem:s7], [sflag:s3] =	dma.general @!p1 [spmem:s5], [sflag:s4], length:$0x2, [dreg:$0x0], stride_count:$0x0, ici_dest:s2, dma_misc:DstOpCode:WRITE  }
.Ltmp39:
0x21d: {  	s2 =	simm.s32 @!p1 $0x3;
	(pc) =	sbr.rel @p2 .LBB2_58-.Ltmp39, $4  }
0x21e: {  	s3 =	sshll.u32 @!p1 s9, $0xE;
	_ =	swait.ge @!p1 [sflag:s2], $0x92  }
0x21f: {  	s4 =	sshll.u32 @!p1 s8, $0x11;
	s3 =	sadd.s32 @!p1 $0x11C3C, s3;
	[sflag:s2] =	ssyncset.done @!p1 $0x0  }
0x220: {  	[sflag:s2] =	ssyncadd.s32 @!p1 $0xFFFFFF6E;
	s2 =	sor.u32 @!p1 s4, s3  }
0x221: {  	s0 =	simm.s32 $0x0;
	[sflag:s2] =	ssyncadd.remote.s32 @!p1 $0xFFFFFFFF  }
0x222: {  	s0 =	simm.s32 $0x9919  }
0x223: {  	v0 =	vld.msk [tilespmem:s0+$0x0], $0x1;
	_ =	sdelay $0x4  }
0x224: {  	(v2sf) =	vpush v0, $0x0;
	_ =	sdelay $0xe  }
0x225: {  	s2 =	spop (v2sf)  }
0x226: {  	s3 =	sadd.s32 $0xFFFFFFFE, s6;
	s0 =	simm.s32 $0x9B78;
	p1 =	sgt.u32 s2, $0x3C78  }
0x227: {  	s4 =	sand.u32 @!p1 $0x3FF8, s2;
	s5 =	sadd.s32 @!p1 $0x80, s2;
	s6 =	sadd.s32 @!p1 $0x100, s2  }
0x228: {  	s8 =	sand.u32 @!p1 $0x7, s2;
	s4 =	sadd.s32 @!p1 s1, s4;
	s5 =	sand.u32 @!p1 $0x7FF8, s5  }
0x229: {  	[hbm4b:s4+s8] =	stream.linear.scatter @!p1 [tilespmem:s0], [sflag:$0x5], $0x80, $0x38;
	[tilespmem:$0x181E8] =	vst v63  }
0x22a: {  	s6 =	sand.u32 @!p1 $0x7FF8, s6;
	s4 =	simm.s32 @!p1 $0x9BF8;
	s5 =	sadd.s32 @!p1 s1, s5  }
0x22b: {  	[hbm4b:s5+s8] =	stream.linear.scatter @!p1 [tilespmem:s4], [sflag:$0x5], $0x80, $0x38;
	[tilespmem:$0x181E8] =	vst v63  }
0x22c: {  	s4 =	simm.s32 @!p1 $0x9C78;
	s5 =	sadd.s32 @!p1 s1, s6  }
0x22d: {  	[hbm4b:s5+s8] =	stream.linear.scatter @!p1 [tilespmem:s4], [sflag:$0x5], $0x80, $0x38;
	[tilespmem:$0x181E8] =	vst v63  }
0x22e: {  	s5 =	sadd.s32 $0xFFFFFFFF, s3  }
0x22f: {  	s6 =	sadd.s32 @!p1 $0x180, s2;
	p2 =	sne.s32 s5, $0x0  }
.Ltmp40:
0x230: {  	s3 =	sand.u32 @!p1 $0x7FF8, s6;
	(pc) =	sbr.rel @!p2 .LBB2_57-.Ltmp40, $4  }
0x231: {  	s2 =	sadd.s32 @!p1 $0x200, s2;
	s6 =	simm.s32 @!p1 $0x9CF8;
	s3 =	sadd.s32 @!p1 s1, s3  }
0x232: {  	[hbm4b:s3+s8] =	stream.linear.scatter @!p1 [tilespmem:s6], [sflag:$0x5], $0x80, $0x38;
	[tilespmem:$0x181E8] =	vst v63  }
0x233: {  	s7 =	simm.s32 $0x9DB8;
	s2 =	sand.u32 @!p1 $0x7FF8, s2;
	s3 =	simm.s32 $0x0  }
0x234: {  	s4 =	simm.s32 $0x0;
	s6 =	simm.s32 $0x991A;
	s3 =	simm.s32 @!p1 $0x900  }
.LBB2_56:
0x235: {  	s0 =	sadd.s32 @!p1 $0x200, s0;
	s2 =	sadd.s32 @!p1 s1, s2;
	s4 =	sadd.s32 s4, s3  }
0x236: {  	[hbm4b:s2+s8] =	stream.linear.scatter @!p1 [tilespmem:s0], [sflag:$0x5], $0x40, $0x38;
	[tilespmem:$0x181E8] =	vst v63  }
0x237: {  	s5 =	sadd.s32 $0xFFFFFFFF, s5;
	s0 =	smov.u32 s7;
	v0 =	vld.msk [tilespmem:s6+$0x0], $0x1  }
0x238: {  	p2 =	sne.s32 s5, $0x0;
	_ =	sdelay $0x3  }
0x239: {  	(v2sf) =	vpush v0, $0x0;
	_ =	sdelay $0xe  }
0x23a: {  	s2 =	spop (v2sf)  }
0x23b: {  	s7 =	sadd.s32 $0x240, s7;
	s6 =	sadd.s32 $0x1, s6;
	p1 =	sgt.u32 s2, $0x3C78  }
0x23c: {  	s3 =	sand.u32 @!p1 $0x3FF8, s2;
	s9 =	sadd.s32 @!p1 $0x80, s2;
	s10 =	sadd.s32 @!p1 $0x100, s2  }
0x23d: {  	s8 =	sand.u32 @!p1 $0x7, s2;
	s3 =	sadd.s32 @!p1 s1, s3;
	s9 =	sand.u32 @!p1 $0x7FF8, s9  }
0x23e: {  	[hbm4b:s3+s8] =	stream.linear.scatter @!p1 [tilespmem:s0], [sflag:$0x5], $0x80, $0x38;
	[tilespmem:$0x181E8] =	vst v63  }
0x23f: {  	s10 =	sand.u32 @!p1 $0x7FF8, s10;
	s3 =	sadd.s32 @!p1 $0x80, s0;
	s9 =	sadd.s32 @!p1 s1, s9  }
0x240: {  	[hbm4b:s9+s8] =	stream.linear.scatter @!p1 [tilespmem:s3], [sflag:$0x5], $0x80, $0x38;
	[tilespmem:$0x181E8] =	vst v63  }
0x241: {  	s3 =	sadd.s32 @!p1 $0x100, s0;
	s9 =	sadd.s32 @!p1 s1, s10  }
.Ltmp41:
0x242: {  	s10 =	sadd.s32 @!p1 $0x180, s2;
	s2 =	sadd.s32 @!p1 $0x200, s2;
	(pc) =	sbr.rel @p2 .LBB2_56-.Ltmp41, $4  }
0x243: {  	[hbm4b:s9+s8] =	stream.linear.scatter @!p1 [tilespmem:s3], [sflag:$0x5], $0x80, $0x38;
	[tilespmem:$0x181E8] =	vst v63  }
0x244: {  	s10 =	sand.u32 @!p1 $0x7FF8, s10;
	s9 =	sadd.s32 @!p1 $0x180, s0;
	s3 =	simm.s32 $0x0  }
0x245: {  	s2 =	sand.u32 @!p1 $0x7FF8, s2;
	s10 =	sadd.s32 @!p1 s1, s10;
	s3 =	simm.s32 @!p1 $0x900  }
0x246: {  	[hbm4b:s10+s8] =	stream.linear.scatter @!p1 [tilespmem:s9], [sflag:$0x5], $0x80, $0x38;
	[tilespmem:$0x181E8] =	vst v63  }
.LBB2_57:
0x247: {  	s0 =	sadd.s32 @!p1 $0x200, s0;
	s2 =	sadd.s32 @!p1 s1, s2;
	s31 =	sadd.s32 s4, s3  }
0x248: {  	[hbm4b:s2+s8] =	stream.linear.scatter @!p1 [tilespmem:s0], [sflag:$0x5], $0x40, $0x38;
	[tilespmem:$0x181E8] =	vst v63  }
0x249: {  	s0 =	sshrl.u32 s31, $0x2  }
.LBB2_58:
0x24a: {  	s2 =	simm.s32 $0x5  }
0x24b: {  	_ =	swait.ge [sflag:s2], s0  }
0x24c: {  	s31 =	ssub.s32 $0x0, s0;
	[sflag:s2] =	ssyncset.done $0x0  }
0x24d: {  	[sflag:s2] =	ssyncadd.s32 s31  }
0x24e: {  	[sflag:s2] =	ssyncpa.u1 $0x1  }
.LBB2_59:
0x24f: {  	s0 =	sor.u32 s17, s18  }
0x250: {  	p1 =	sne.s32 s0, $0x0  }
.Ltmp42:
0x251: {  	_ = 	snop;
	(pc) =	sbr.rel @p1 .LBB2_82-.Ltmp42, $3  }
0x252: {  	_ =	sdelay $0x1  }
0x253: {  	[bflag:$0x0] =	sbarrier.arrive $0xFFFF  }
0x254: {  	_ =	sfence  }
0x255: {  	s0 =	simm.s32 $0x7  }
0x256: {  	s2 =	simm.s32 $0x4800;
	s3 =	simm.s32 $0x9918;
	[sflag:s0] =	ssyncpa.u1 $0x0  }
0x257: {  	[tilespmem:s3], [sflag:$0x7] =	stream.linear.gather [spmem:s2], $0x20, $0x38;
	[tilespmem:$0x181E8] =	vst v63  }
0x258: {  	s2 =	simm.s32 $0x0;
	s3 =	simm.s32 $0x9938  }
0x259: {  	[tilespmem:s3], [sflag:$0x7] =	stream.linear.gather [spmem:s2], $0x4800, $0x38;
	[tilespmem:$0x181E8] =	vst v63  }
.Ltmp43:
0x25a: {  	_ = 	snop;
	(pc) =	sbr.rel .LBB2_61-.Ltmp43, $4  }
0x25b: {  	_ =	swait.ge [sflag:s0], $0x4820  }
0x25c: {  	s4 =	simm.s32 $0x8;
	s5 =	simm.s32 $0x9748;
	[sflag:s0] =	ssyncset.done $0x0  }
0x25d: {  	s6 =	simm.s32 $0x97C8;
	s7 =	simm.s32 $0x9848;
	[sflag:s0] =	ssyncadd.s32 $0xFFFFB7E0  }
0x25e: {  	s8 =	simm.s32 $0x98C8;
	s9 =	simm.s32 $0x0;
	[sflag:s4] =	ssyncpa.u1 $0x0  }
.LBB2_76:
0x25f: {  	s9 =	sadd.s32 $0x1, s9  }
0x260: {  	p1 =	sne.s32 s9, $0x20  }
.Ltmp44:
0x261: {  	_ = 	snop;
	(pc) =	sbr.rel @!p1 .LBB2_77-.Ltmp44, $2  }
0x262: {  	_ =	sdelay $0x2  }
0x263: {  	s3 =	sadd.s32 $0x240, s3  }
.LBB2_61:
0x264: {  	v0 =	vld.msk [tilespmem:s9+$0x9918], $0x1;
	_ =	sdelay $0x4  }
0x265: {  	(v2sf) =	vpush v0, $0x0;
	_ =	sdelay $0xe  }
0x266: {  	s0 =	spop (v2sf)  }
0x267: {  	p1 =	seq.s32 s0, $0xFFFFFFFF  }
.Ltmp45:
0x268: {  	_ = 	snop;
	(pc) =	sbr.rel @p1 .LBB2_76-.Ltmp45, $1  }
0x269: {  	_ =	sdelay $0x3  }
0x26a: {  	p1 =	slt.s32 s2, $0x1  }
.Ltmp46:
0x26b: {  	_ = 	snop;
	(pc) =	sbr.rel @p1 .LBB2_69-.Ltmp46, $1  }
0x26c: {  	_ =	sdelay $0x3  }
0x26d: {  	s10 =	simm.s32 $0x9918;
	p1 =	por $0x0, $0x0  }
0x26e: {  	v1 =	vld.msk @!p1 [tilespmem:s10+$0x0], $0x1;
	_ =	sdelay $0x4  }
0x26f: {  	(v2sf) =	vpush @!p1 v1, $0x0;
	_ =	sdelay $0xd  }
0x270: {  	p3 =	sne.s32 s2, $0x1  }
.Ltmp47:
0x271: {  	s11 =	spop @!p1 (v2sf);
	(pc) =	sbr.rel @!p3 .LBB2_65-.Ltmp47, $4  }
0x272: {  	p2 =	seq.s32 @!p1 s0, s11  }
0x273: {  	s11 =	simm.s32 $0x0;
	p2 =	por !p2, p1  }
0x274: {  	s13 =	simm.s32 $0xFFFFFFFF;
	s11 =	simm.s32 @p2 $0xFFFFFFFF  }
0x275: {  	s12 =	simm.s32 $0x1;
	s11 =	smov.u32 @p1 s13  }
.LBB2_64:
0x276: {  	s13 =	smov.u32 s11;
	p1 =	sne.s32 s11, $0xFFFFFFFF  }
0x277: {  	s10 =	sadd.s32 $0x1, s10;
	s11 =	smov.u32 s12;
	s12 =	sadd.s32 $0x1, s12  }
0x278: {  	p2 =	sne.s32 s2, s12;
	v1 =	vld.msk @!p1 [tilespmem:s10+$0x0], $0x1;
	_ =	sdelay $0x4  }
0x279: {  	(v2sf) =	vpush @!p1 v1, $0x0;
	_ =	sdelay $0xe  }
.Ltmp48:
0x27a: {  	s14 =	spop @!p1 (v2sf);
	(pc) =	sbr.rel @p2 .LBB2_64-.Ltmp48, $4  }
0x27b: {  	p3 =	seq.s32 @!p1 s0, s14  }
0x27c: {  	p3 =	por !p3, p1  }
0x27d: {  	s11 =	simm.s32 @p3 $0xFFFFFFFF  }
0x27e: {  	s11 =	smov.u32 @p1 s13  }
.LBB2_65:
0x27f: {  	p1 =	seq.s32 s11, $0xFFFFFFFF  }
.Ltmp49:
0x280: {  	_ = 	snop;
	(pc) =	sbr.rel @p1 .LBB2_69-.Ltmp49, $1  }
0x281: {  	_ =	sdelay $0x3  }
0x282: {  	s0 =	smul.u32 $0x900, s11;
	_ =	sdelay $0x1  }
0x283: {  	s0 =	sshra.s32 s0, $0x2  }
0x284: {  	s10 =	simm.s32 $0x0;
	v0 =	vld [tilespmem:s3+$0x0];
	s11 =	smov.u32 s3;
	s0 =	sadd.s32 $0x9938, s0  }
.LBB2_67:
0x285: {  	s10 =	sadd.s32 $0x10, s10  }
0x286: {  	p1 =	slt.u32 s10, $0x230  }
.Ltmp50:
0x287: {  	_ = 	snop;
	(pc) =	sbr.rel @p1 .LBB2_67-.Ltmp50, $3  }
0x288: {  	_ =	sdelay $0x1  }
0x289: {  	s11 =	sadd.s32 $0x10, s11;
	[tilespmem:s0+$0x0] =	vst.add.f32.msk $0xffff, v0;
	s0 =	sadd.s32 $0x10, s0  }
0x28a: {  	v0 =	vld [tilespmem:s11+$0x0]  }
.Ltmp51:
0x28b: {  	_ = 	snop;
	(pc) =	sbr.rel .LBB2_76-.Ltmp51, $2  }
0x28c: {  	_ =	sdelay $0x2  }
0x28d: {  	[tilespmem:s0+$0x0] =	vst.add.f32.msk $0xffff, v0  }
.LBB2_69:
0x28e: {  	p1 =	sgt.u32 s0, $0x3C78  }
.Ltmp52:
0x28f: {  	_ = 	snop;
	(pc) =	sbr.rel @p1 .LBB2_73-.Ltmp52, $1  }
0x290: {  	_ =	sdelay $0x3  }
0x291: {  	s10 =	sand.u32 $0x3FF8, s0;
	s12 =	sand.u32 $0x7, s0  }
0x292: {  	s28 =	sadd.s32 $0x80, s0;
	s11 =	sadd.s32 s1, s10;
	s10 =	simm.s32 $0x96C8  }
0x293: {  	[tilespmem:s10], [sflag:$0x8] =	stream.linear.gather [hbm4b:s11+s12], $0x80, $0x38;
	[tilespmem:$0x181E8] =	vst v63  }
0x294: {  	s11 =	sand.u32 $0x7FF8, s28  }
0x295: {  	s29 =	sadd.s32 $0x100, s0;
	s11 =	sadd.s32 s1, s11  }
0x296: {  	[tilespmem:s5], [sflag:$0x8] =	stream.linear.gather [hbm4b:s11+s12], $0x80, $0x38;
	[tilespmem:$0x181E8] =	vst v63  }
0x297: {  	s11 =	sand.u32 $0x7FF8, s29  }
0x298: {  	s30 =	sadd.s32 $0x180, s0;
	s11 =	sadd.s32 s1, s11  }
0x299: {  	[tilespmem:s6], [sflag:$0x8] =	stream.linear.gather [hbm4b:s11+s12], $0x80, $0x38;
	[tilespmem:$0x181E8] =	vst v63  }
0x29a: {  	s31 =	sadd.s32 $0x200, s0;
	s11 =	sand.u32 $0x7FF8, s30  }
0x29b: {  	s0 =	sand.u32 $0x7FF8, s31;
	s11 =	sadd.s32 s1, s11  }
0x29c: {  	[tilespmem:s7], [sflag:$0x8] =	stream.linear.gather [hbm4b:s11+s12], $0x80, $0x38;
	[tilespmem:$0x181E8] =	vst v63  }
0x29d: {  	s0 =	sadd.s32 s1, s0  }
0x29e: {  	[tilespmem:s8], [sflag:$0x8] =	stream.linear.gather [hbm4b:s0+s12], $0x40, $0x38;
	[tilespmem:$0x181E8] =	vst v63  }
0x29f: {  	_ =	swait.ge [sflag:s4], $0x240  }
0x2a0: {  	[sflag:s4] =	ssyncset.done $0x0  }
0x2a1: {  	[sflag:s4] =	ssyncadd.s32 $0xFFFFFDC0  }
0x2a2: {  	s11 =	smov.u32 s3;
	s0 =	simm.s32 $0x0;
	v1 =	vld [tilespmem:s10+$0x0]  }
.LBB2_71:
0x2a3: {  	s0 =	sadd.s32 $0x10, s0  }
0x2a4: {  	p1 =	slt.u32 s0, $0x230  }
.Ltmp53:
0x2a5: {  	_ = 	snop;
	(pc) =	sbr.rel @p1 .LBB2_71-.Ltmp53, $3  }
0x2a6: {  	_ =	sdelay $0x1  }
0x2a7: {  	s10 =	sadd.s32 $0x10, s10;
	[tilespmem:s11+$0x0] =	vst.add.f32.msk $0xffff, v1;
	s11 =	sadd.s32 $0x10, s11  }
0x2a8: {  	v1 =	vld [tilespmem:s10+$0x0]  }
0x2a9: {  	_ =	sdelay $0x3  }
0x2aa: {  	[tilespmem:s11+$0x0] =	vst.add.f32.msk $0xffff, v1  }
.LBB2_73:
0x2ab: {  	s0 =	smul.u32 $0x900, s2;
	_ =	sdelay $0x1  }
0x2ac: {  	[tilespmem:s2+$0x9918] =	vst.msk $0x1, v0;
	s0 =	sshra.s32 s0, $0x2  }
0x2ad: {  	s10 =	simm.s32 $0x0;
	s11 =	smov.u32 s3;
	v0 =	vld [tilespmem:s3+$0x0];
	s0 =	sadd.s32 $0x9938, s0  }
.LBB2_74:
0x2ae: {  	s10 =	sadd.s32 $0x10, s10  }
0x2af: {  	p1 =	slt.u32 s10, $0x230  }
.Ltmp54:
0x2b0: {  	_ = 	snop;
	(pc) =	sbr.rel @p1 .LBB2_74-.Ltmp54, $3  }
0x2b1: {  	_ =	sdelay $0x1  }
0x2b2: {  	s11 =	sadd.s32 $0x10, s11;
	[tilespmem:s0+$0x0] =	vst v0;
	s0 =	sadd.s32 $0x10, s0  }
0x2b3: {  	v0 =	vld [tilespmem:s11+$0x0]  }
.Ltmp55:
0x2b4: {  	_ = 	snop;
	(pc) =	sbr.rel .LBB2_76-.Ltmp55, $2  }
0x2b5: {  	_ =	sdelay $0x2  }
0x2b6: {  	s2 =	sadd.s32 $0x1, s2;
	[tilespmem:s0+$0x0] =	vst v0  }
.LBB2_77:
0x2b7: {  	p1 =	slt.s32 s2, $0x1  }
.Ltmp56:
0x2b8: {  	_ = 	snop;
	(pc) =	sbr.rel @p1 .LBB2_81-.Ltmp56, $3  }
0x2b9: {  	_ =	sdelay $0x1  }
0x2ba: {  	s0 =	simm.s32 $0x8  }
0x2bb: {  	s3 =	simm.s32 $0x0;
	[sflag:s0] =	ssyncpa.u1 $0x1  }
0x2bc: {  	s0 =	simm.s32 $0x9918  }
0x2bd: {  	v0 =	vld.msk [tilespmem:s0+$0x0], $0x1;
	_ =	sdelay $0x4  }
0x2be: {  	(v2sf) =	vpush v0, $0x0;
	_ =	sdelay $0xe  }
0x2bf: {  	s2 =	sadd.s32 $0xFFFFFFFF, s2;
	s5 =	spop (v2sf)  }
0x2c0: {  	s0 =	simm.s32 $0x9938;
	p2 =	sne.s32 s2, $0x0;
	p1 =	sgt.u32 s5, $0x3C78  }
0x2c1: {  	s4 =	sand.u32 @!p1 $0x3FF8, s5;
	s7 =	sadd.s32 @!p1 $0x80, s5;
	s8 =	sadd.s32 @!p1 $0x100, s5  }
0x2c2: {  	s6 =	sand.u32 @!p1 $0x7, s5;
	s4 =	sadd.s32 @!p1 s1, s4;
	s7 =	sand.u32 @!p1 $0x7FF8, s7  }
0x2c3: {  	[hbm4b:s4+s6] =	stream.linear.scatter @!p1 [tilespmem:s0], [sflag:$0x7], $0x80, $0x38;
	[tilespmem:$0x181E8] =	vst v63  }
0x2c4: {  	s8 =	sand.u32 @!p1 $0x7FF8, s8;
	s4 =	simm.s32 @!p1 $0x99B8;
	s7 =	sadd.s32 @!p1 s1, s7  }
0x2c5: {  	[hbm4b:s7+s6] =	stream.linear.scatter @!p1 [tilespmem:s4], [sflag:$0x7], $0x80, $0x38;
	[tilespmem:$0x181E8] =	vst v63  }
0x2c6: {  	s4 =	simm.s32 @!p1 $0x9A38;
	s7 =	sadd.s32 @!p1 s1, s8;
	s8 =	sadd.s32 @!p1 $0x180, s5  }
0x2c7: {  	[hbm4b:s7+s6] =	stream.linear.scatter @!p1 [tilespmem:s4], [sflag:$0x7], $0x80, $0x38;
	[tilespmem:$0x181E8] =	vst v63  }
.Ltmp57:
0x2c8: {  	s4 =	sand.u32 @!p1 $0x7FF8, s8;
	(pc) =	sbr.rel @!p2 .LBB2_80-.Ltmp57, $4  }
0x2c9: {  	s7 =	simm.s32 $0x0;
	s8 =	simm.s32 @!p1 $0x9AB8;
	s4 =	sadd.s32 @!p1 s1, s4  }
0x2ca: {  	[hbm4b:s4+s6] =	stream.linear.scatter @!p1 [tilespmem:s8], [sflag:$0x7], $0x80, $0x38;
	[tilespmem:$0x181E8] =	vst v63  }
0x2cb: {  	s7 =	simm.s32 @!p1 $0x900;
	s8 =	sadd.s32 @!p1 $0x200, s5  }
0x2cc: {  	s4 =	simm.s32 $0x9919;
	s5 =	simm.s32 $0x9B78;
	s8 =	sand.u32 @!p1 $0x7FF8, s8  }
.LBB2_79:
0x2cd: {  	s0 =	sadd.s32 @!p1 $0x200, s0;
	s8 =	sadd.s32 @!p1 s1, s8;
	s3 =	sadd.s32 s3, s7  }
0x2ce: {  	[hbm4b:s8+s6] =	stream.linear.scatter @!p1 [tilespmem:s0], [sflag:$0x7], $0x40, $0x38;
	[tilespmem:$0x181E8] =	vst v63  }
0x2cf: {  	s2 =	sadd.s32 $0xFFFFFFFF, s2;
	s0 =	smov.u32 s5;
	v0 =	vld.msk [tilespmem:s4+$0x0], $0x1  }
0x2d0: {  	p2 =	sne.s32 s2, $0x0;
	_ =	sdelay $0x3  }
0x2d1: {  	(v2sf) =	vpush v0, $0x0;
	_ =	sdelay $0xe  }
0x2d2: {  	s7 =	spop (v2sf)  }
0x2d3: {  	s5 =	sadd.s32 $0x240, s5;
	s4 =	sadd.s32 $0x1, s4;
	p1 =	sgt.u32 s7, $0x3C78  }
0x2d4: {  	s6 =	sand.u32 @!p1 $0x3FF8, s7;
	s8 =	sadd.s32 @!p1 $0x80, s7;
	s9 =	sadd.s32 @!p1 $0x100, s7  }
0x2d5: {  	s10 =	sadd.s32 @!p1 s1, s6;
	s6 =	sand.u32 @!p1 $0x7, s7;
	s8 =	sand.u32 @!p1 $0x7FF8, s8  }
0x2d6: {  	[hbm4b:s10+s6] =	stream.linear.scatter @!p1 [tilespmem:s0], [sflag:$0x7], $0x80, $0x38;
	[tilespmem:$0x181E8] =	vst v63  }
0x2d7: {  	s9 =	sand.u32 @!p1 $0x7FF8, s9;
	s10 =	sadd.s32 @!p1 $0x80, s0;
	s8 =	sadd.s32 @!p1 s1, s8  }
0x2d8: {  	[hbm4b:s8+s6] =	stream.linear.scatter @!p1 [tilespmem:s10], [sflag:$0x7], $0x80, $0x38;
	[tilespmem:$0x181E8] =	vst v63  }
0x2d9: {  	s9 =	sadd.s32 @!p1 s1, s9;
	s8 =	sadd.s32 @!p1 $0x100, s0;
	s10 =	sadd.s32 @!p1 $0x180, s7  }
0x2da: {  	[hbm4b:s9+s6] =	stream.linear.scatter @!p1 [tilespmem:s8], [sflag:$0x7], $0x80, $0x38;
	[tilespmem:$0x181E8] =	vst v63  }
.Ltmp58:
0x2db: {  	_ = 	snop;
	(pc) =	sbr.rel @p2 .LBB2_79-.Ltmp58, $4  }
0x2dc: {  	s9 =	sadd.s32 @!p1 $0x180, s0  }
0x2dd: {  	s8 =	sand.u32 @!p1 $0x7FF8, s10;
	s10 =	sadd.s32 @!p1 $0x200, s7;
	s7 =	simm.s32 $0x0  }
0x2de: {  	s7 =	simm.s32 @!p1 $0x900;
	s11 =	sadd.s32 @!p1 s1, s8;
	s8 =	sand.u32 @!p1 $0x7FF8, s10  }
0x2df: {  	[hbm4b:s11+s6] =	stream.linear.scatter @!p1 [tilespmem:s9], [sflag:$0x7], $0x80, $0x38;
	[tilespmem:$0x181E8] =	vst v63  }
.LBB2_80:
0x2e0: {  	s0 =	sadd.s32 @!p1 $0x200, s0;
	s1 =	sadd.s32 @!p1 s1, s8;
	s31 =	sadd.s32 s3, s7  }
0x2e1: {  	[hbm4b:s1+s6] =	stream.linear.scatter @!p1 [tilespmem:s0], [sflag:$0x7], $0x40, $0x38;
	[tilespmem:$0x181E8] =	vst v63  }
0x2e2: {  	s3 =	sshrl.u32 s31, $0x2  }
.LBB2_81:
0x2e3: {  	s0 =	simm.s32 $0x7  }
0x2e4: {  	_ =	swait.ge [sflag:s0], s3  }
0x2e5: {  	s1 =	ssub.s32 $0x0, s3;
	[sflag:s0] =	ssyncset.done $0x0  }
0x2e6: {  	[sflag:s0] =	ssyncadd.s32 s1  }
0x2e7: {  	[sflag:s0] =	ssyncpa.u1 $0x1  }
.LBB2_82:
0x2e8: {  	_ =	sfence;
	s0 =	simm.s32 $0x1  }
0x2e9: {  	[sflag:s0] =	ssyncpa.u1 $0x1  }
0x2ea: {  	_ =	strace $0x90000047  }
0x2eb: {  	[bflag:$0x2] =	sbarrier.arrive $0xFFFF  }
0x2ec: {  	s0 =	rddreg [dreg:$0x4]  }
0x2ed: {  	s0 =	sadd.s32 @!p0 $0x100000, s0  }
0x2ee: {  	[sflag:s0] =	ssyncadd.tile.s32 @!p0 $0x1;
	_ =	shalt  }
.Lfunc_end2:
_tile_overlayer_lowered:
.L_overlay_start_2:
0x2ef: {  	(tag) =	ssettag $0x2  }
0x2f0: {  	s0 =	rddreg [dreg:$0x0];
	s2 =	stileid.u32  }
0x2f1: {  	s1 =	rddreg [dreg:$0x1];
	p0 =	sne.s32 s2, $0x0  }
0x2f2: {  	s3 =	rddreg [dreg:$0x2];
	[bflag:$0x3] =	sbarrier.arrive $0xFFFF;
	s2 =	simm.s32 @!p0 $0x1C01  }
0x2f3: {  	[timem:s3], [sflag:s2] =	dma.local @!p0 [hbm:s0], s1  }
0x2f4: {  	s0 =	simm.s32 @!p0 $0x1  }
0x2f5: {  	_ =	swait.ge @!p0 [sflag:s0], s1  }
0x2f6: {  	s1 =	ssub.s32 @!p0 $0x0, s1;
	[sflag:s0] =	ssyncset.done @!p0 $0x0  }
0x2f7: {  	[sflag:s0] =	ssyncadd.s32 @!p0 s1  }
0x2f8: {  	[bflag:$0x3] =	sbarrier.arrive $0xFFFF  }
0x2f9: {  	_ =	shalt  }

// kernel: scatter_offload_async_start.3
scs
__scs_entry_jumppad:
0x0: {  	(pc) =	sbr.rel $0x88, $3  }
0x1: {  	(tag) =	ssettag $0x0;
	lr =	simm.s32 $0x1  }
0x2: {  	[smem:$0x3FA0] =	sst lr;
	_ =	strace $0xD0000000  }
0x3: {  	_ = 	snop  }
0x4: {  	_ = 	snop  }
0x5: {  	_ = 	snop  }
0x6: {  	_ = 	snop  }
0x7: {  	_ = 	snop  }
__scs_overlays_trampoline_lowered:
0x8: {  	[smem:$0x3FAF] =	sst s0  }
0x9: {  	[smem:$0x3FB0] =	sst s1  }
0xa: {  	[smem:$0x3FB1] =	sst s2  }
0xb: {  	[smem:$0x3FB2] =	sst s3  }
0xc: {  	[smem:$0x3FB3] =	sst s4  }
0xd: {  	[smem:$0x3FB4] =	sst s5  }
0xe: {  	[smem:$0x3FB5] =	sst s6  }
0xf: {  	[smem:$0x3FB6] =	sst s7  }
0x10: {  	[smem:$0x3FB7] =	sst s8  }
0x11: {  	[smem:$0x3FB8] =	sst s9;
	s0 =	simm.s32 @!p0 $0x0  }
0x12: {  	s1 =	sld [smem:$0x3F9E];
	s0 =	simm.s32 @p0 $0x1  }
0x13: {  	[smem:$0x3FB9] =	sst s0;
	s0 =	simm.s32 @!p1 $0x0  }
0x14: {  	s2 =	sld [smem:$0x3F9D];
	s0 =	simm.s32 @p1 $0x1  }
0x15: {  	[smem:$0x3FBA] =	sst s0;
	s0 =	simm.s32 @!p2 $0x0  }
0x16: {  	s3 =	sld [smem:$0x3FDB];
	s0 =	simm.s32 @p2 $0x1  }
0x17: {  	s4 =	simm.s32 $0x1BF5;
	[smem:$0x3FBC] =	sst s0  }
0x18: {  	s0 =	sld [smem:$0x3F9F];
	_ =	swait.ge [sflag:s4], $0x0  }
0x19: {  	s7 =	sld [smem:$0x3FA0]  }
0x1a: {  	s8 =	sadd.s32 $0xFFFFE003, lr  }
0x1b: {  	s9 =	sadd.s32 $0xFFFFFEF7, lr;
	s5 =	simm.s32 $0xFFFFFFFF;
	p2 =	slt.u32 s8, $0xFFFFF086  }
0x1c: {  	p1 =	slt.u32 s9, $0xF7A;
	s5 =	simm.s32 @!p2 $0x0  }
0x1d: {  	s5 =	simm.s32 @p1 $0x1;
	p0 =	seq.s32 s7, s2  }
0x1e: {  	s7 =	smul.u32 @!p0 $0xF7A, s2;
	p2 =	seq.s32 @!p0 s5, $0x0  }
0x1f: {  	s9 =	smul.u32 $0xF7A, s1;
	s8 =	simm.s32 @!p0 $0x1BF5;
	p2 =	por !p2, p0  }
0x20: {  	[sflag:s8] =	ssyncset.s32 @!p0 $0xFFFFF086;
	s6 =	sadd.s32 @!p0 s3, s7;
	s7 =	simm.s32 @!p0 $0x108  }
0x21: {  	s3 =	sadd.s32 s3, s9;
	s6 =	sadd.s32 @!p0 $0x88, s6;
	s7 =	simm.s32 @p2 $0x1082  }
0x22: {  	[simem:s7], [sflag:s8] =	dma.local @!p0 [hbm:s6], $0xF7A  }
0x23: {  	s9 =	sor.u32 $0xD0000000, s2;
	s6 =	simm.s32 $0x108;
	_ =	swait.ge @!p0 [sflag:s8], $0x0  }
0x24: {  	s3 =	sadd.s32 $0x88, s3;
	s6 =	simm.s32 @!p1 $0x1082;
	[sflag:s4] =	ssyncset.s32 $0xFFFFF086  }
0x25: {  	[simem:s6], [sflag:s4] =	dma.local [hbm:s3], $0xF7A  }
0x26: {  	[smem:$0x3FA0] =	sst s1;
	(tag) =	ssettag s2;
	_ =	strace s9  }
0x27: {  	s1 =	sld [smem:$0x3FB0]  }
0x28: {  	s2 =	sld [smem:$0x3FB1]  }
0x29: {  	s4 =	sld [smem:$0x3FB3]  }
0x2a: {  	p0 =	seq.s32 s5, $0x0;
	s5 =	sld [smem:$0x3FB4]  }
0x2b: {  	s6 =	sld [smem:$0x3FB5]  }
0x2c: {  	s7 =	sld [smem:$0x3FB6]  }
0x2d: {  	s3 =	simm.s32 $0x108;
	s8 =	sld [smem:$0x3FB7]  }
0x2e: {  	s3 =	simm.s32 @!p0 $0x1082;
	s9 =	sld [smem:$0x3FB8]  }
0x2f: {  	lr =	sadd.s32 s0, s3;
	s0 =	sld [smem:$0x3FAF]  }
0x30: {  	s3 =	sld [smem:$0x3FB2]  }
0x31: {  	[smem:$0x3FBB] =	sst s10  }
0x32: {  	s10 =	sld [smem:$0x3FB9];
	_ =	sdelay $0x3  }
0x33: {  	p0 =	seq.s32 s10, $0x1;
	s10 =	sld [smem:$0x3FBB];
	_ =	sdelay $0x3  }
0x34: {  	[smem:$0x3FBB] =	sst s10  }
0x35: {  	s10 =	sld [smem:$0x3FBA];
	_ =	sdelay $0x3  }
0x36: {  	p1 =	seq.s32 s10, $0x1;
	s10 =	sld [smem:$0x3FBB];
	_ =	sdelay $0x3  }
0x37: {  	[smem:$0x3FBB] =	sst s10  }
0x38: {  	s10 =	sld [smem:$0x3FBC]  }
0x39: {  	_ = 	snop;
	(pc) =	sbr.ind lr, $3  }
0x3a: {  	_ = 	snop  }
0x3b: {  	_ = 	snop  }
0x3c: {  	p2 =	seq.s32 s10, $0x1;
	s10 =	sld [smem:$0x3FBB]  }
0x3d: {  	_ =	shalt  }
0x3e: {  	_ =	shalt  }
0x3f: {  	_ =	shalt  }
0x40: {  	_ =	shalt  }
0x41: {  	_ =	shalt  }
0x42: {  	_ =	shalt  }
0x43: {  	_ =	shalt  }
0x44: {  	_ =	shalt  }
0x45: {  	_ =	shalt  }
0x46: {  	_ =	shalt  }
0x47: {  	_ =	shalt  }
0x48: {  	_ =	shalt  }
0x49: {  	_ =	shalt  }
0x4a: {  	_ =	shalt  }
0x4b: {  	_ =	shalt  }
0x4c: {  	_ =	shalt  }
0x4d: {  	_ =	shalt  }
0x4e: {  	_ =	shalt  }
0x4f: {  	_ =	shalt  }
0x50: {  	_ =	shalt  }
0x51: {  	_ =	shalt  }
0x52: {  	_ =	shalt  }
0x53: {  	_ =	shalt  }
0x54: {  	_ =	shalt  }
0x55: {  	_ =	shalt  }
0x56: {  	_ =	shalt  }
0x57: {  	_ =	shalt  }
0x58: {  	_ =	shalt  }
0x59: {  	_ =	shalt  }
0x5a: {  	_ =	shalt  }
0x5b: {  	_ =	shalt  }
0x5c: {  	_ =	shalt  }
0x5d: {  	_ =	shalt  }
0x5e: {  	_ =	shalt  }
0x5f: {  	_ =	shalt  }
0x60: {  	_ =	shalt  }
0x61: {  	_ =	shalt  }
0x62: {  	_ =	shalt  }
0x63: {  	_ =	shalt  }
0x64: {  	_ =	shalt  }
0x65: {  	_ =	shalt  }
0x66: {  	_ =	shalt  }
0x67: {  	_ =	shalt  }
0x68: {  	_ =	shalt  }
0x69: {  	_ =	shalt  }
0x6a: {  	_ =	shalt  }
0x6b: {  	_ =	shalt  }
0x6c: {  	_ =	shalt  }
0x6d: {  	_ =	shalt  }
0x6e: {  	_ =	shalt  }
0x6f: {  	_ =	shalt  }
0x70: {  	_ =	shalt  }
0x71: {  	_ =	shalt  }
0x72: {  	_ =	shalt  }
0x73: {  	_ =	shalt  }
0x74: {  	_ =	shalt  }
0x75: {  	_ =	shalt  }
0x76: {  	_ =	shalt  }
0x77: {  	_ =	shalt  }
0x78: {  	_ =	shalt  }
0x79: {  	_ =	shalt  }
0x7a: {  	_ =	shalt  }
0x7b: {  	_ =	shalt  }
0x7c: {  	_ =	shalt  }
0x7d: {  	_ =	shalt  }
0x7e: {  	_ =	shalt  }
0x7f: {  	_ =	shalt  }
0x80: {  	_ =	shalt  }
0x81: {  	_ =	shalt  }
0x82: {  	_ =	shalt  }
0x83: {  	_ =	shalt  }
0x84: {  	_ =	shalt  }
0x85: {  	_ =	shalt  }
0x86: {  	_ =	shalt  }
0x87: {  	_ =	shalt  }
.Lfunc_end0:
.L_simem_size_0:
called_computation_lowered:
.L_overlay_start_0:
0x88: {  	s2 =	sld [smem:$0x3FD9]  }
0x89: {  	s3 =	sld [smem:$0x3FFE];
	_ =	sdelay $0x1  }
0x8a: {  	s1 =	srdreg.scid  }
0x8b: {  	s0 =	sand.u32 $0x1, s1  }
0x8c: {  	s16 =	sshll.u32 s0, $0xA;
	s2 =	sadd.s32 s3, s2  }
0x8d: {  	s2 =	sadd.s32 s2, s16  }
0x8e: {  	[smem:$0x3FC7] =	sst s2  }
0x8f: {  	_ = 	snop  }
0x90: {  	s2 =	sld [smem:$0x3FD0];
	(tm) =	ssettm $0x1  }
0x91: {  	s17 =	sld [smem:$0x3FFB];
	_ =	sdelay $0x3  }
0x92: {  	_ =	strace s17  }
0x93: {  	s3 =	sld [smem:$0x3FFC];
	_ =	sdelay $0x3  }
0x94: {  	_ =	strace s3  }
0x95: {  	s3 =	sld [smem:$0x3FFD];
	_ =	sdelay $0x3  }
0x96: {  	_ =	strace s3  }
0x97: {  	_ =	strace $0x8FFFFFFF  }
0x98: {  	s18 =	sld [smem:$0x3FDB];
	_ =	sdelay $0x1  }
0x99: {  	s4 =	simm.s32 $_scs_section_size  }
0x9a: {  	s5 =	simm.s32 $_size__tile_overlayer_lowered;
	s6 =	simm.s32 $_tile_overlayer_lowered  }
0x9b: {  	s21 =	simm.s32 $0x1BFF;
	s20 =	sshll.u32 s6, $0x1;
	s3 =	sadd.s32 s4, s18  }
0x9c: {  	s7 =	simm.s32 $0x0;
	s19 =	sshll.u32 s5, $0x1;
	s5 =	sadd.s32 s20, s3  }
0x9d: {  	[timem:s7], [sflag:s21] =	dma.local [hbm:s5], s19  }
0x9e: {  	_ =	swait.ge [sflag:s21], s19  }
0x9f: {  	s4 =	ssub.s32 $0x0, s19;
	[sflag:s21] =	ssyncset.done $0x0  }
0xa0: {  	[sflag:s21] =	ssyncadd.s32 s4;
	_ =	sdelay $0x1  }
0xa1: {  	s22 =	simm.s32 $0x1B8B  }
0xa2: {  	_ =	swait.ge [sflag:s22], $0x1  }
0xa3: {  	[sflag:s22] =	ssyncset.done $0x0  }
0xa4: {  	s23 =	sld [smem:$0x3FFE];
	[sflag:s22] =	ssyncadd.s32 $0xFFFFFFFF  }
0xa5: {  	s25 =	simm.s32 $0x1B8E;
	s24 =	sld [smem:$0x0]  }
0xa6: {  	s26 =	simm.s32 $execute0_lowered;
	[smem:$0x3FD2] =	sst s25  }
0xa7: {  	s6 =	sshll.u32 s26, $0x1;
	_ =	strace $0x80000049;
	[dreg:$0x1] =	wrdreg $0xFFFFFFFF  }
0xa8: {  	s28 =	simm.s32 $_size_execute0_lowered;
	s3 =	sadd.s32 s3, s6;
	[dreg:$0x0] =	wrdreg $0x0  }
0xa9: {  	s6 =	sshll.u32 s28, $0x1;
	[dreg:$0x2] =	wrdreg s3  }
0xaa: {  	[dreg:$0x3] =	wrdreg s6  }
0xab: {  	[dreg:$0x4] =	wrdreg $0xC0  }
0xac: {  	_ =	task [dreg:s7], $0x5FFFF  }
0xad: {  	[dreg:$0x1] =	wrdreg $0xFFFFFFFF  }
0xae: {  	[dreg:$0x0] =	wrdreg $0x60  }
0xaf: {  	[dreg:$0x2] =	wrdreg s2  }
0xb0: {  	[dreg:$0x3] =	wrdreg s23  }
0xb1: {  	[dreg:$0x4] =	wrdreg s1  }
0xb2: {  	[dreg:$0x5] =	wrdreg s24  }
0xb3: {  	[dreg:$0x6] =	wrdreg $0x9  }
0xb4: {  	_ =	task.clear_ibuf [dreg:s7], $0x7FFFF;
	_ =	strace $0x90000049  }
0xb5: {  	s29 =	simm.s32 $0x9;
	_ =	strace $0x8000004B  }
0xb6: {  	_ =	swait.ge [sflag:s29], $0x1  }
0xb7: {  	[sflag:s29] =	ssyncadd.s32 $0xFFFFFFFF  }
0xb8: {  	_ =	strace $0x9000004B  }
0xb9: {  	_ =	sfence  }
0xba: {  	s30 =	sld [smem:$0x0];
	_ =	sdelay $0x2  }
0xbb: {  	s31 =	sshll.u32 s1, $0xD;
	s1 =	sshrl.u32 s1, $0x2  }
0xbc: {  	s3 =	sand.u32 $0x4000, s31;
	s1 =	sadd.s32 s1, s30  }
0xbd: {  	s0 =	sor.u32 s3, s0;
	s1 =	sshll.u32 s1, $0x11  }
0xbe: {  	s0 =	sor.u32 s1, s0  }
0xbf: {  	s0 =	sadd.s32 $0x8F2B, s0  }
0xc0: {  	[sflag:s0] =	ssyncadd.remote.s32 $0x1  }
0xc1: {  	_ =	sfence.sel $0xFFFF  }
0xc2: {  	[dreg:$0x0] =	wrdreg $0xFFFFFFFF;
	(pc) =	sbr.abs _section_cstart, $3  }
0xc3: {  	[dreg:$0x1] =	wrdreg $0xFFFFFFFF  }
0xc4: {  	_ =	task.clear_ibuf [dreg:s7], $0x2FFFF;
	_ =	strace $0x9FFFFFFF  }
0xc5: {  	(tm) =	ssettm $0x7FFFFFFF  }
tec
execute0_lowered:
.L_overlay_start_1:
0x0: {  	(tag) =	ssettag $0x1  }
0x1: {  	s1 =	rddreg [dreg:$0x0]  }
0x2: {  	s2 =	rddreg [dreg:$0x1]  }
0x3: {  	s5 =	rddreg [dreg:$0x2];
	_ =	strace $0x8000004A;
	s0 =	simm.s32 $0x1  }
0x4: {  	s4 =	simm.s32 $0x488;
	v0 =	vimm.s32 $0x0;
	[sflag:s0] =	ssyncpa.u1 $0x0  }
0x5: {  	[tilespmem:s4+$0x30] =	vst v0  }
0x6: {  	s0 =	sadd.s32 $0x3C200, s2;
	s6 =	sadd.s32 $0x200, s2;
	[tilespmem:s4+$0x20] =	vst v0  }
0x7: {  	s3 =	sadd.s32 $0x3C400, s2;
	s2 =	sand.u32 $0x1, s5;
	s5 =	simm.s32 $0x40;
	[tilespmem:s4+$0x10] =	vst v0  }
.LBB2_1:
0x8: {  	s5 =	sadd.s32 $0x40, s5  }
0x9: {  	[tilespmem:s4+$0x0] =	vst v0;
	s4 =	sadd.s32 $0x40, s4;
	p0 =	slt.u32 s5, $0x4A40  }
.Ltmp0:
0xa: {  	(pc) =	sbr.rel @p0 .LBB2_1-.Ltmp0, $4  }
0xb: {  	_ = 	snop  }
0xc: {  	[tilespmem:s4+$0x30] =	vst v0  }
0xd: {  	[tilespmem:s4+$0x20] =	vst v0  }
0xe: {  	[tilespmem:s4+$0x10] =	vst v0  }
0xf: {  	s26 =	simm.s32 $0x2;
	s28 =	stileid.u32  }
0x10: {  	s5 =	simm.s32 $0x9;
	s29 =	simm.s32 $0xA;
	[dreg:$0x5] =	wrdreg s2  }
0x11: {  	s30 =	smul.u32 $0xC0, s2;
	s31 =	simm.s32 $0xB;
	s23 =	simm.s32 $0x0  }
0x12: {  	p0 =	por $0x1, $0x1;
	p1 =	por $0x0, $0x0;
	s16 =	simm.s32 $0x1  }
0x13: {  	s17 =	simm.s32 $0x80;
	s18 =	simm.s32 $0x400;
	s19 =	smul.u32 $0x60, s28  }
.Ltmp1:
0x14: {  	s9 =	simm.s32 $0xC;
	s21 =	simm.s32 $0x0;
	(pc) =	sbr.rel .LBB2_3-.Ltmp1, $4  }
0x15: {  	[tilespmem:s4+$0x0] =	vst v0;
	v0 =	vimm.s32 $0xFFFFFFFF;
	s20 =	simm.s32 $0x0;
	[sflag:s26] =	ssyncpa.u1 $0x0;
	s4 =	smul.u32 $0x1200, s28  }
0x16: {  	[tilespmem:$0x9908] =	vst v0;
	[sflag:s5] =	ssyncpa.u1 $0x0;
	s7 =	sadd.s32 s30, s3;
	s0 =	sadd.s32 s30, s0  }
0x17: {  	[sflag:s29] =	ssyncpa.u1 $0x0;
	s12 =	sadd.s32 $0x60, s19;
	[dreg:$0x6] =	wrdreg s0  }
0x18: {  	v0 =	vlaneseq.u32;
	s15 =	sshrl.u32 s4, $0x2;
	s22 =	smov.u32 s19;
	[sflag:s31] =	ssyncpa.u1 $0x0  }
.LBB2_30:
0x19: {  	s0 =	sshrl.u32 s31, $0x2  }
.LBB2_32:
0x1a: {  	_ =	swait.ge [sflag:s9], s0  }
0x1b: {  	s31 =	ssub.s32 $0x0, s0;
	v1 =	vmov s25;
	vm0 =	veq.s32 v0, $0x0;
	[sflag:s9] =	ssyncset.done $0x0  }
0x1c: {  	vm15 =	veq.s32 v0, $0x2;
	v1 =	vsel vm0, s30, v1;
	[sflag:s9] =	ssyncadd.s32 s31  }
0x1d: {  	v1 =	vsel vm15, s23, v1;
	[sflag:s9] =	ssyncpa.u1 $0x1  }
0x1e: {  	[tilespmem:$0x9908] =	vst v1  }
.LBB2_33:
0x1f: {  	s0 =	sadd.s32 $0x20, s22  }
0x20: {  	s2 =	smov.u32 s19;
	s20 =	sadd.s32 $0x1, s20;
	p2 =	slt.s32 s0, s12  }
0x21: {  	s2 =	smov.u32 @p2 s0;
	p2 =	sne.s32 s20, $0x5  }
.Ltmp2:
0x22: {  	_ = 	snop;
	(pc) =	sbr.rel @!p2 .LBB2_34-.Ltmp2, $3  }
0x23: {  	_ =	sdelay $0x1  }
0x24: {  	s23 =	smov.u32 s21;
	s21 =	smov.u32 s22  }
0x25: {  	p0 =	por !p0, !p0;
	p1 =	por !p1, !p1;
	s22 =	smov.u32 s2  }
.LBB2_3:
0x26: {  	p2 =	sgt.u32 s20, $0x2  }
0x27: {  	p3 =	sgt.s32 @!p2 s22, $0x5E0  }
0x28: {  	s0 =	smov.u32 s22;
	s2 =	sshra.s32 @!p2 s22, $0x1F;
	p3 =	por !p3, p2  }
0x29: {  	s2 =	sand.u32 @!p2 s2, s22;
	s0 =	simm.s32 @p3 $0x5E0  }
0x2a: {  	s0 =	ssub.s32 @!p2 s0, s2  }
0x2b: {  	s0 =	sadd.s32 @!p2 $0xFFFFFA20, s0  }
0x2c: {  	s3 =	sshrl.u32 @!p2 s22, $0x3;
	s4 =	sand.u32 @!p2 $0x7, s22;
	s2 =	sshll.u32 @!p2 s0, $0x2  }
0x2d: {  	p3 =	sgt.s32 @!p2 s0, $0x1F;
	s0 =	ssub.s32 @!p2 $0x80, s2;
	s2 =	sshll.u32 @!p2 s20, $0x5  }
0x2e: {  	p3 =	por !p3, p2;
	s0 =	sshrl.u32 @!p2 s0, $0x2;
	s2 =	sand.u32 @!p2 $0x3FFFFFE0, s2  }
0x2f: {  	s3 =	sadd.s32 @!p2 s3, s7;
	s0 =	simm.s32 @!p3 $0x0;
	s2 =	sadd.s32 @!p2 $0xE148, s2  }
0x30: {  	[tilespmem:s2], [sflag:$0xA] =	stream.linear.gather @!p2 [hbm4b:s3+s4], s0, $0x38;
	[tilespmem:$0x181E8] =	vst v63  }
0x31: {  	s0 =	sadd.s32 $0xFFFFFFFF, s20  }
0x32: {  	p2 =	slt.u32 s0, $0x3  }
.Ltmp3:
0x33: {  	_ = 	snop;
	(pc) =	sbr.rel @!p2 .LBB2_9-.Ltmp3, $1  }
0x34: {  	_ =	sdelay $0x3  }
0x35: {  	p2 =	sgt.s32 s21, $0x5E0;
	s2 =	smov.u32 s21;
	s3 =	sshra.s32 s21, $0x1F  }
0x36: {  	s2 =	simm.s32 @!p2 $0x5E0;
	s3 =	sand.u32 s3, s21  }
0x37: {  	s2 =	ssub.s32 s2, s3  }
0x38: {  	s2 =	sadd.s32 $0xFFFFFA20, s2  }
0x39: {  	s8 =	sshll.u32 s2, $0x2  }
0x3a: {  	s5 =	simm.s32 $0xA;
	s3 =	ssub.s32 $0x80, s8  }
0x3b: {  	s10 =	sand.u32 $0x1, s0;
	p2 =	sgt.s32 s2, $0x1F;
	s2 =	sshrl.u32 s3, $0x2  }
0x3c: {  	s11 =	sshrl.u32 s21, $0x3;
	s14 =	sand.u32 $0x7, s21;
	s2 =	simm.s32 @p2 $0x0  }
0x3d: {  	s24 =	sshll.u32 s0, $0x5;
	s3 =	sshll.u32 s10, $0x5;
	_ =	swait.ge [sflag:s5], s2  }
0x3e: {  	s4 =	ssub.s32 $0x0, s2;
	[sflag:s5] =	ssyncset.done $0x0;
	s13 =	rddreg [dreg:$0x6]  }
0x3f: {  	s3 =	sadd.s32 $0xE1A8, s3;
	[sflag:s5] =	ssyncadd.s32 s4;
	s4 =	sadd.s32 s11, s13  }
0x40: {  	[tilespmem:s3], [sflag:$0xB] =	stream.linear.gather [hbm4b:s4+s14], s2, $0x38;
	[tilespmem:$0x181E8] =	vst v63  }
0x41: {  	s4 =	sand.u32 $0x3FFFFFE0, s24  }
0x42: {  	v1 =	vld.msk [tilespmem:s4+$0xE148], $0xffff;
	_ =	sdelay $0x3  }
0x43: {  	s25 =	simm.s32 $0x0  }
0x44: {  	(v2sf) =	vpush v1, s25;
	_ =	sdelay $0x5  }
0x45: {  	s26 =	simm.s32 $0x1  }
0x46: {  	(v2sf) =	vpush v1, s26;
	_ =	sdelay $0x4  }
0x47: {  	s30 =	simm.s32 $0x2  }
0x48: {  	(v2sf) =	vpush v1, s30  }
0x49: {  	s31 =	simm.s32 $0x3  }
0x4a: {  	s28 =	spop (v2sf);
	(v2sf) =	vpush v1, s31;
	_ =	sdelay $0x1  }
0x4b: {  	s2 =	simm.s32 $0x1;
	s29 =	sshrl.u32 s28, $0x3  }
0x4c: {  	s2 =	simm.s32 @!p0 $0x0;
	s0 =	sshll.u32 s28, $0x7;
	s3 =	smul.u32 $0x1400, s29  }
0x4d: {  	s2 =	smul.u32 $0x14000, s2;
	s0 =	sand.u32 $0x380, s0  }
0x4e: {  	s0 =	sor.u32 s0, s3  }
0x4f: {  	s2 =	sshrl.u32 s2, $0x2;
	s0 =	sshrl.u32 s0, $0x3  }
0x50: {  	s24 =	spop (v2sf);
	s3 =	sadd.s32 $0xE1E8, s2;
	s0 =	sadd.s32 s6, s0  }
0x51: {  	[tilespmem:s3], [sflag:$0x9] =	stream.strided.gather [hbm4b:s0+s17], $0x280, s18, s17, $0x38;
	[tilespmem:$0x181E8] =	vst v63  }
0x52: {  	s5 =	simm.s32 $0x4;
	s0 =	sor.u32 $0x109E8, s2;
	s2 =	sshrl.u32 s24, $0x3  }
.LBB2_5:
0x53: {  	(v2sf) =	vpush v1, s5;
	s2 =	smul.u32 $0x1400, s2;
	s14 =	sshll.u32 s24, $0x7;
	p2 =	seq.s32 s5, $0xF  }
.Ltmp4:
0x54: {  	s5 =	sadd.s32 $0x1, s5;
	s14 =	sand.u32 $0x380, s14;
	(pc) =	sbr.rel @!p2 .LBB2_5-.Ltmp4, $4  }
0x55: {  	s2 =	sor.u32 s14, s2  }
0x56: {  	s24 =	spop (v2sf);
	s14 =	sshrl.u32 s2, $0x3  }
0x57: {  	s3 =	sadd.s32 $0x280, s3;
	s2 =	sshrl.u32 s24, $0x3;
	s14 =	sadd.s32 s6, s14  }
0x58: {  	[tilespmem:s3], [sflag:$0x9] =	stream.strided.gather [hbm4b:s14+s17], $0x280, s18, s17, $0x38;
	[tilespmem:$0x181E8] =	vst v63  }
0x59: {  	s2 =	smul.u32 $0x1400, s2;
	s5 =	sshll.u32 s24, $0x7  }
0x5a: {  	s5 =	sand.u32 $0x380, s5  }
0x5b: {  	s8 =	spop (v2sf);
	s3 =	sadd.s32 $0x280, s3;
	s2 =	sor.u32 s5, s2  }
0x5c: {  	s14 =	sshrl.u32 s8, $0x3;
	s5 =	sshll.u32 s8, $0x7;
	s2 =	sshrl.u32 s2, $0x3  }
0x5d: {  	s10 =	smul.u32 $0x1400, s14;
	s5 =	sand.u32 $0x380, s5;
	s2 =	sadd.s32 s6, s2  }
0x5e: {  	[tilespmem:s3], [sflag:$0x9] =	stream.strided.gather [hbm4b:s2+s17], $0x280, s18, s17, $0x38;
	[tilespmem:$0x181E8] =	vst v63  }
0x5f: {  	s2 =	sor.u32 s5, s10  }
0x60: {  	s2 =	sshrl.u32 s2, $0x3  }
0x61: {  	s3 =	sadd.s32 $0x280, s3;
	s2 =	sadd.s32 s6, s2  }
0x62: {  	[tilespmem:s3], [sflag:$0x9] =	stream.strided.gather [hbm4b:s2+s17], $0x280, s18, s17, $0x38;
	[tilespmem:$0x181E8] =	vst v63  }
0x63: {  	s11 =	spop (v2sf)  }
0x64: {  	s13 =	sshrl.u32 s11, $0x3  }
0x65: {  	s5 =	sshll.u32 s11, $0x7;
	s24 =	smul.u32 $0x1400, s13  }
0x66: {  	s5 =	sand.u32 $0x380, s5  }
0x67: {  	s2 =	sor.u32 s5, s24  }
0x68: {  	s2 =	sshrl.u32 s2, $0x3  }
0x69: {  	s3 =	sadd.s32 $0x280, s3;
	s2 =	sadd.s32 s6, s2  }
0x6a: {  	[tilespmem:s3], [sflag:$0x9] =	stream.strided.gather [hbm4b:s2+s17], $0x280, s18, s17, $0x38;
	[tilespmem:$0x181E8] =	vst v63  }
0x6b: {  	v1 =	vld.msk [tilespmem:s4+$0xE158], $0xffff;
	_ =	sdelay $0x3  }
0x6c: {  	s25 =	simm.s32 $0x0  }
0x6d: {  	(v2sf) =	vpush v1, s25;
	_ =	sdelay $0x7  }
0x6e: {  	s26 =	simm.s32 $0x1  }
0x6f: {  	(v2sf) =	vpush v1, s26;
	_ =	sdelay $0x4  }
0x70: {  	s30 =	simm.s32 $0x2  }
0x71: {  	s28 =	spop (v2sf);
	(v2sf) =	vpush v1, s30  }
0x72: {  	s31 =	simm.s32 $0x3  }
0x73: {  	(v2sf) =	vpush v1, s31;
	_ =	sdelay $0x1  }
0x74: {  	s29 =	sshrl.u32 s28, $0x3  }
0x75: {  	s2 =	sshll.u32 s28, $0x7;
	s3 =	smul.u32 $0x1400, s29  }
0x76: {  	s2 =	sand.u32 $0x380, s2  }
0x77: {  	s2 =	sor.u32 s2, s3  }
0x78: {  	s2 =	sshrl.u32 s2, $0x3  }
0x79: {  	s4 =	spop (v2sf);
	s2 =	sadd.s32 s6, s2  }
0x7a: {  	[tilespmem:s0], [sflag:$0x9] =	stream.strided.gather [hbm4b:s2+s17], $0x280, s18, s17, $0x38;
	[tilespmem:$0x181E8] =	vst v63  }
0x7b: {  	s3 =	simm.s32 $0x4;
	s2 =	sshrl.u32 s4, $0x3  }
.LBB2_7:
0x7c: {  	(v2sf) =	vpush v1, s3;
	s2 =	smul.u32 $0x1400, s2;
	s4 =	sshll.u32 s4, $0x7;
	p2 =	seq.s32 s3, $0xF  }
.Ltmp5:
0x7d: {  	s3 =	sadd.s32 $0x1, s3;
	s4 =	sand.u32 $0x380, s4;
	(pc) =	sbr.rel @!p2 .LBB2_7-.Ltmp5, $4  }
0x7e: {  	s2 =	sor.u32 s4, s2  }
0x7f: {  	s4 =	spop (v2sf);
	s5 =	sshrl.u32 s2, $0x3  }
0x80: {  	s0 =	sadd.s32 $0x280, s0;
	s2 =	sshrl.u32 s4, $0x3;
	s5 =	sadd.s32 s6, s5  }
0x81: {  	[tilespmem:s0], [sflag:$0x9] =	stream.strided.gather [hbm4b:s5+s17], $0x280, s18, s17, $0x38;
	[tilespmem:$0x181E8] =	vst v63  }
0x82: {  	s2 =	smul.u32 $0x1400, s2;
	s3 =	sshll.u32 s4, $0x7  }
0x83: {  	s3 =	sand.u32 $0x380, s3  }
0x84: {  	s25 =	spop (v2sf);
	s0 =	sadd.s32 $0x280, s0;
	s2 =	sor.u32 s3, s2  }
0x85: {  	s26 =	sshrl.u32 s25, $0x3;
	s3 =	sshll.u32 s25, $0x7;
	s2 =	sshrl.u32 s2, $0x3  }
0x86: {  	s28 =	smul.u32 $0x1400, s26;
	s3 =	sand.u32 $0x380, s3;
	s2 =	sadd.s32 s6, s2  }
0x87: {  	[tilespmem:s0], [sflag:$0x9] =	stream.strided.gather [hbm4b:s2+s17], $0x280, s18, s17, $0x38;
	[tilespmem:$0x181E8] =	vst v63  }
0x88: {  	s2 =	sor.u32 s3, s28  }
0x89: {  	s2 =	sshrl.u32 s2, $0x3  }
0x8a: {  	s0 =	sadd.s32 $0x280, s0;
	s2 =	sadd.s32 s6, s2  }
0x8b: {  	[tilespmem:s0], [sflag:$0x9] =	stream.strided.gather [hbm4b:s2+s17], $0x280, s18, s17, $0x38;
	[tilespmem:$0x181E8] =	vst v63  }
0x8c: {  	s29 =	spop (v2sf)  }
0x8d: {  	s30 =	sshrl.u32 s29, $0x3  }
0x8e: {  	s3 =	sshll.u32 s29, $0x7;
	s31 =	smul.u32 $0x1400, s30  }
0x8f: {  	s3 =	sand.u32 $0x380, s3  }
0x90: {  	s2 =	sor.u32 s3, s31  }
0x91: {  	s2 =	sshrl.u32 s2, $0x3  }
0x92: {  	s0 =	sadd.s32 $0x280, s0;
	s2 =	sadd.s32 s6, s2  }
0x93: {  	[tilespmem:s0], [sflag:$0x9] =	stream.strided.gather [hbm4b:s2+s17], $0x280, s18, s17, $0x38;
	[tilespmem:$0x181E8] =	vst v63  }
.LBB2_9:
0x94: {  	p2 =	slt.u32 s20, $0x2  }
.Ltmp6:
0x95: {  	_ = 	snop;
	(pc) =	sbr.rel @p2 .LBB2_33-.Ltmp6, $1  }
0x96: {  	_ =	sdelay $0x3  }
0x97: {  	p2 =	sgt.s32 s23, $0x5E0;
	s0 =	smov.u32 s23;
	s2 =	sshra.s32 s23, $0x1F  }
0x98: {  	s0 =	simm.s32 @!p2 $0x5E0;
	s2 =	sand.u32 s2, s23  }
0x99: {  	s0 =	ssub.s32 s0, s2  }
0x9a: {  	s0 =	sadd.s32 $0xFFFFFA20, s0  }
0x9b: {  	s3 =	simm.s32 $0x9;
	s28 =	sshll.u32 s0, $0x2  }
0x9c: {  	_ =	swait.ge [sflag:s3], $0x5000;
	s2 =	ssub.s32 $0x80, s28  }
0x9d: {  	[sflag:s3] =	ssyncset.done $0x0;
	p2 =	sgt.s32 s0, $0x1F;
	s0 =	sshrl.u32 s2, $0x2  }
0x9e: {  	s29 =	simm.s32 $0xB;
	[sflag:s3] =	ssyncadd.s32 $0xFFFFB000;
	s0 =	simm.s32 @p2 $0x0  }
0x9f: {  	_ =	swait.ge [sflag:s29], s0  }
0xa0: {  	s0 =	ssub.s32 $0x0, s0;
	[sflag:s29] =	ssyncset.done $0x0  }
0xa1: {  	[sflag:s29] =	ssyncadd.s32 s0  }
0xa2: {  	v1 =	vld [tilespmem:$0x9908];
	_ =	sdelay $0x4  }
0xa3: {  	(v2sf) =	vpush v1, $0x0  }
0xa4: {  	(v2sf) =	vpush v1, $0x1  }
0xa5: {  	(v2sf) =	vpush v1, $0x2;
	_ =	sdelay $0x3  }
0xa6: {  	s0 =	sadd.s32 $0x20, s23  }
0xa7: {  	s2 =	ssub.s32 $0xC00, s23;
	p2 =	slt.s32 s12, s0  }
0xa8: {  	s0 =	smov.u32 @p2 s12;
	p2 =	sgt.s32 s2, $0x0  }
0xa9: {  	s24 =	ssub.s32 s0, s23;
	s2 =	simm.s32 @!p2 $0x0  }
0xaa: {  	p2 =	slt.s32 s2, s24  }
0xab: {  	s24 =	smov.u32 @p2 s2  }
0xac: {  	p2 =	slt.s32 s24, $0x1  }
.Ltmp7:
0xad: {  	_ = 	snop;
	(pc) =	sbr.rel @p2 .LBB2_14-.Ltmp7, $4  }
0xae: {  	s0 =	simm.s32 $0x1  }
0xaf: {  	s0 =	simm.s32 @!p1 $0x0;
	s4 =	spop (v2sf)  }
0xb0: {  	s31 =	sshll.u32 s0, $0x5;
	s26 =	spop (v2sf)  }
0xb1: {  	s30 =	sadd.s32 $0xE1A8, s31;
	s23 =	spop (v2sf)  }
0xb2: {  	s2 =	smin.u32 s24, $0x10  }
0xb3: {  	v1 =	vmov s2  }
0xb4: {  	vm1 =	vgt.u32 v1, v0;
	_ =	sdelay $0x1  }
0xb5: {  	p3 =	sgt.s32 s24, $0x10  }
.Ltmp8:
0xb6: {  	_ = 	snop;
	(pc) =	sbr.rel @!p3 .LBB2_13-.Ltmp8, $3  }
0xb7: {  	_ =	sdelay $0x1  }
0xb8: {  	v1 =	vld.msk [tilespmem:s30+$0x0 ss:$0x1], vm1  }
0xb9: {  	s5 =	simm.s32 $0x10;
	s25 =	sadd.s32 $0xFFFFFFF0, s24;
	s3 =	smov.u32 s30;
	vm0 =	vmmov vm1  }
.LBB2_12:
0xba: {  	s2 =	smin.u32 s25, $0x10;
	s5 =	sadd.s32 $0x10, s5  }
0xbb: {  	v2 =	vmov s2;
	p3 =	slt.s32 s5, s24  }
0xbc: {  	vm1 =	vgt.u32 v2, v0  }
0xbd: {  	v2 =	vshrl.u32 v1, $0x3  }
0xbe: {  	v1 =	vshll.u32 v1, $0x4;
	v2 =	vmul.u32 $0x280, v2  }
0xbf: {  	v1 =	vand.u32 $0x70, v1  }
.Ltmp9:
0xc0: {  	v1 =	vor.u32 v1, v2;
	(pc) =	sbr.rel @p3 .LBB2_12-.Ltmp9, $3  }
0xc1: {  	[tilespmem:s3+$0x0] =	vst.msk vm0, v1;
	s3 =	sadd.s32 $0x10, s3;
	vm0 =	vmmov vm1  }
0xc2: {  	v1 =	vld.msk [tilespmem:s3+$0x0 ss:$0x1], vm1;
	_ =	sdelay $0x1  }
0xc3: {  	s25 =	sadd.s32 $0xFFFFFFF0, s25  }
.LBB2_13:
0xc4: {  	_ =	sdelay $0x2  }
0xc5: {  	v2 =	vshrl.u32 v1, $0x3  }
0xc6: {  	v1 =	vshll.u32 v1, $0x4;
	v2 =	vmul.u32 $0x280, v2  }
0xc7: {  	v1 =	vand.u32 $0x70, v1  }
0xc8: {  	v1 =	vor.u32 v1, v2  }
0xc9: {  	[tilespmem:s3+$0x0] =	vst.msk vm0, v1  }
.LBB2_14:
0xca: {  	s2 =	sand.u32 $0x1, s20  }
0xcb: {  	p3 =	sne.s32 s26, $0xFFFFFFFF;
	s3 =	sshll.u32 s2, $0x5  }
0xcc: {  	v1 =	vld.msk @!p3 [tilespmem:s3+$0xE1A8], $0x1;
	_ =	sdelay $0x4  }
0xcd: {  	(v2sf) =	vpush @!p3 v1, $0x0;
	_ =	sdelay $0xc  }
.Ltmp10:
0xce: {  	_ = 	snop;
	(pc) =	sbr.rel @p2 .LBB2_31-.Ltmp10, $4  }
0xcf: {  	_ = 	snop  }
0xd0: {  	s29 =	spop @!p3 (v2sf)  }
0xd1: {  	s23 =	simm.s32 @!p3 $0x0;
	s25 =	smov.u32 s29  }
0xd2: {  	[sflag:s9] =	ssyncpa.u1 $0x0;
	s29 =	smov.u32 @p3 s4;
	s25 =	smov.u32 @p3 s26  }
0xd3: {  	v1 =	vld.msk [tilespmem:s30+$0x0], $0x1;
	_ =	sdelay $0x4  }
0xd4: {  	(v2sf) =	vpush v1, $0x0;
	_ =	sdelay $0xe  }
0xd5: {  	s2 =	smul.u32 $0x14000, s0;
	s0 =	spop (v2sf)  }
0xd6: {  	s26 =	simm.s32 $0x0;
	p2 =	seq.s32 s29, s0  }
0xd7: {  	s2 =	sshrl.u32 s2, $0x2;
	p3 =	sgt.s32 @!p2 s29, $0x0;
	s4 =	smul.u32 @!p2 $0x900, s26  }
0xd8: {  	s28 =	sadd.s32 $0xE1E8, s2;
	s2 =	smov.u32 s29;
	p3 =	por !p3, p2  }
0xd9: {  	s8 =	smov.u32 s7;
	s2 =	simm.s32 @p3 $0x0;
	s7 =	sshra.s32 @!p2 s4, $0x2  }
0xda: {  	s31 =	sadd.s32 $0xE1A8, s3;
	s2 =	smin.u32 @!p2 s2, $0x16F8;
	s3 =	sadd.s32 @!p2 $0x4EC8, s7  }
0xdb: {  	s5 =	sand.u32 @!p2 $0x1FF8, s2;
	s14 =	sadd.s32 @!p2 $0x80, s2;
	s9 =	sadd.s32 @!p2 $0x100, s2  }
0xdc: {  	s10 =	sadd.s32 @!p2 s1, s5;
	s5 =	sand.u32 @!p2 $0x7, s2;
	s14 =	sand.u32 @!p2 $0x3FF8, s14  }
0xdd: {  	[tilespmem:s3], [sflag:$0x2] =	stream.linear.gather @!p2 [hbm4b:s10+s5], $0x80, $0x38;
	[tilespmem:$0x181E8] =	vst v63  }
0xde: {  	s4 =	sadd.s32 @!p2 $0x4F48, s7;
	s9 =	sand.u32 @!p2 $0x3FF8, s9;
	s3 =	sadd.s32 @!p2 s1, s14  }
0xdf: {  	[tilespmem:s4], [sflag:$0x2] =	stream.linear.gather @!p2 [hbm4b:s3+s5], $0x80, $0x38;
	[tilespmem:$0x181E8] =	vst v63  }
0xe0: {  	s3 =	sadd.s32 @!p2 s1, s9;
	s4 =	sadd.s32 @!p2 $0x4FC8, s7  }
0xe1: {  	[tilespmem:s4], [sflag:$0x2] =	stream.linear.gather @!p2 [hbm4b:s3+s5], $0x80, $0x38;
	[tilespmem:$0x181E8] =	vst v63  }
0xe2: {  	s4 =	sadd.s32 $0xFFFFFFFF, s24  }
0xe3: {  	s10 =	sadd.s32 @!p2 $0x180, s2;
	p3 =	sne.s32 s4, $0x0  }
.Ltmp11:
0xe4: {  	s9 =	sand.u32 @!p2 $0x3FF8, s10;
	(pc) =	sbr.rel @!p3 .LBB2_17-.Ltmp11, $4  }
0xe5: {  	s3 =	sadd.s32 @!p2 s1, s9;
	s9 =	sadd.s32 @!p2 $0x5048, s7  }
0xe6: {  	[tilespmem:s9], [sflag:$0x2] =	stream.linear.gather @!p2 [hbm4b:s3+s5], $0x80, $0x38;
	[tilespmem:$0x181E8] =	vst v63  }
0xe7: {  	s2 =	sadd.s32 @!p2 $0x200, s2;
	s3 =	simm.s32 @!p2 $0x1  }
0xe8: {  	s14 =	sand.u32 @!p2 $0x3FF8, s2;
	s2 =	sadd.s32 @!p2 $0x50C8, s7;
	s3 =	smov.u32 @p2 s26  }
.LBB2_16:
0xe9: {  	s7 =	smov.u32 s3  }
0xea: {  	s4 =	sadd.s32 $0xFFFFFFFF, s4;
	s3 =	sadd.s32 @!p2 s1, s14;
	s30 =	sadd.s32 $0x1, s30  }
0xeb: {  	[tilespmem:s2], [sflag:$0x2] =	stream.linear.gather @!p2 [hbm4b:s3+s5], $0x40, $0x38;
	[tilespmem:$0x181E8] =	vst v63  }
0xec: {  	p3 =	sne.s32 s4, $0x0;
	s2 =	smov.u32 s0;
	v1 =	vld.msk [tilespmem:s30+$0x0], $0x1;
	_ =	sdelay $0x4  }
0xed: {  	(v2sf) =	vpush v1, $0x0;
	_ =	sdelay $0xe  }
0xee: {  	s0 =	spop (v2sf)  }
0xef: {  	p2 =	seq.s32 s2, s0  }
0xf0: {  	p4 =	sgt.s32 @!p2 s2, $0x0;
	s5 =	smul.u32 @!p2 $0x900, s7;
	s3 =	sadd.s32 @!p2 $0x1, s7  }
0xf1: {  	p4 =	por !p4, p2;
	s3 =	smov.u32 @p2 s7  }
0xf2: {  	s2 =	simm.s32 @p4 $0x0;
	s7 =	sshra.s32 @!p2 s5, $0x2  }
0xf3: {  	s2 =	smin.u32 @!p2 s2, $0x16F8;
	s9 =	sadd.s32 @!p2 $0x4EC8, s7;
	s10 =	sadd.s32 @!p2 $0x4F48, s7  }
0xf4: {  	s5 =	sand.u32 @!p2 $0x1FF8, s2;
	s14 =	sadd.s32 @!p2 $0x80, s2;
	s11 =	sadd.s32 @!p2 $0x100, s2  }
0xf5: {  	s13 =	sadd.s32 @!p2 s1, s5;
	s5 =	sand.u32 @!p2 $0x7, s2;
	s14 =	sand.u32 @!p2 $0x3FF8, s14  }
0xf6: {  	[tilespmem:s9], [sflag:$0x2] =	stream.linear.gather @!p2 [hbm4b:s13+s5], $0x80, $0x38;
	[tilespmem:$0x181E8] =	vst v63  }
0xf7: {  	s11 =	sand.u32 @!p2 $0x3FF8, s11;
	s9 =	sadd.s32 @!p2 s1, s14;
	s13 =	sadd.s32 @!p2 $0x180, s2  }
0xf8: {  	[tilespmem:s10], [sflag:$0x2] =	stream.linear.gather @!p2 [hbm4b:s9+s5], $0x80, $0x38;
	[tilespmem:$0x181E8] =	vst v63  }
0xf9: {  	s9 =	sadd.s32 @!p2 s1, s11  }
.Ltmp12:
0xfa: {  	s10 =	sadd.s32 @!p2 $0x4FC8, s7;
	s11 =	sand.u32 @!p2 $0x3FF8, s13;
	(pc) =	sbr.rel @p3 .LBB2_16-.Ltmp12, $4  }
0xfb: {  	[tilespmem:s10], [sflag:$0x2] =	stream.linear.gather @!p2 [hbm4b:s9+s5], $0x80, $0x38;
	[tilespmem:$0x181E8] =	vst v63  }
0xfc: {  	s2 =	sadd.s32 @!p2 $0x200, s2;
	s9 =	sadd.s32 @!p2 s1, s11;
	s10 =	sadd.s32 @!p2 $0x5048, s7  }
0xfd: {  	[tilespmem:s10], [sflag:$0x2] =	stream.linear.gather @!p2 [hbm4b:s9+s5], $0x80, $0x38;
	[tilespmem:$0x181E8] =	vst v63  }
0xfe: {  	s14 =	sand.u32 @!p2 $0x3FF8, s2;
	s2 =	sadd.s32 @!p2 $0x50C8, s7  }
.LBB2_17:
0xff: {  	s0 =	sadd.s32 @!p2 s1, s14;
	s3 =	smul.u32 $0x900, s3  }
0x100: {  	[tilespmem:s2], [sflag:$0x2] =	stream.linear.gather @!p2 [hbm4b:s0+s5], $0x40, $0x38;
	[tilespmem:$0x181E8] =	vst v63  }
.Ltmp13:
0x101: {  	_ = 	snop;
	(pc) =	sbr.rel .LBB2_18-.Ltmp13, $4  }
0x102: {  	s30 =	simm.s32 $0x2;
	s14 =	sshrl.u32 s3, $0x2  }
0x103: {  	v1 =	vmov s31;
	s31 =	simm.s32 $0x0;
	_ =	swait.ge [sflag:s30], s14  }
0x104: {  	s7 =	smov.u32 s8;
	s0 =	ssub.s32 $0x0, s14;
	[sflag:s30] =	ssyncset.done $0x0  }
0x105: {  	s9 =	simm.s32 $0xC;
	[sflag:s30] =	ssyncadd.s32 s0;
	s0 =	simm.s32 $0x0  }
.LBB2_28:
0x106: {  	[tilespmem:s2+$0x0] =	vst v2;
	s26 =	sadd.s32 $0x1, s26  }
.LBB2_29:
0x107: {  	s0 =	sadd.s32 $0x1, s0  }
0x108: {  	p2 =	sne.s32 s0, s24  }
.Ltmp14:
0x109: {  	_ = 	snop;
	(pc) =	sbr.rel @!p2 .LBB2_30-.Ltmp14, $2  }
0x10a: {  	_ =	sdelay $0x2  }
0x10b: {  	s28 =	sadd.s32 $0x280, s28;
	s29 =	smov.u32 s30  }
.LBB2_18:
0x10c: {  	_ =	sdelay $0x3  }
0x10d: {  	v2 =	vld.idx.msk [tilespmem:v1+s0+$0x0 ss:$0x1], $0x1;
	_ =	sdelay $0x4  }
0x10e: {  	(v2sf) =	vpush v2, $0x0;
	_ =	sdelay $0xe  }
0x10f: {  	s30 =	spop (v2sf)  }
0x110: {  	p2 =	sne.s32 s29, s30  }
.Ltmp15:
0x111: {  	_ = 	snop;
	(pc) =	sbr.rel @p2 .LBB2_22-.Ltmp15, $3  }
0x112: {  	_ = 	snop  }
0x113: {  	s2 =	smul.u32 $0x900, s23;
	_ =	sdelay $0x1  }
0x114: {  	s4 =	sshra.s32 s2, $0x2  }
0x115: {  	s2 =	sadd.s32 $0x488, s4;
	s3 =	simm.s32 $0x0;
	v2 =	vld [tilespmem:s28+$0x0];
	s4 =	smov.u32 s28  }
.LBB2_20:
0x116: {  	s3 =	sadd.s32 $0x10, s3  }
0x117: {  	p2 =	slt.u32 s3, $0x230  }
.Ltmp16:
0x118: {  	_ = 	snop;
	(pc) =	sbr.rel @p2 .LBB2_20-.Ltmp16, $3  }
0x119: {  	_ =	sdelay $0x1  }
0x11a: {  	s4 =	sadd.s32 $0x10, s4;
	[tilespmem:s2+$0x0] =	vst.add.f32.msk $0xffff, v2;
	s2 =	sadd.s32 $0x10, s2  }
0x11b: {  	v2 =	vld [tilespmem:s4+$0x0]  }
.Ltmp17:
0x11c: {  	_ = 	snop;
	(pc) =	sbr.rel .LBB2_29-.Ltmp17, $2  }
0x11d: {  	_ =	sdelay $0x2  }
0x11e: {  	[tilespmem:s2+$0x0] =	vst.add.f32.msk $0xffff, v2  }
.LBB2_22:
0x11f: {  	p2 =	seq.s32 s29, s25  }
.Ltmp18:
0x120: {  	_ = 	snop;
	(pc) =	sbr.rel @!p2 .LBB2_23-.Ltmp18, $1  }
0x121: {  	_ =	sdelay $0x3  }
.Ltmp19:
0x122: {  	s2 =	sadd.s32 $0x488, s4;
	(pc) =	sbr.rel .LBB2_26-.Ltmp19, $4  }
0x123: {  	[spmem:s15] =	stream.linear.scatter [tilespmem:s2], [sflag:$0x1], $0x240, $0x38;
	[tilespmem:$0x181E8] =	vst v63  }
0x124: {  	_ =	swait.ge [sflag:s16], $0x240  }
0x125: {  	[sflag:s16] =	ssyncset.done $0x0  }
0x126: {  	[sflag:s16] =	ssyncadd.s32 $0xFFFFFDC0  }
.LBB2_23:
0x127: {  	s2 =	smul.u32 $0x900, s26;
	_ =	sdelay $0x1  }
0x128: {  	s2 =	sshra.s32 s2, $0x2  }
0x129: {  	s3 =	sadd.s32 $0x488, s4;
	s5 =	sadd.s32 $0x4EC8, s2  }
0x12a: {  	s14 =	simm.s32 $0x0;
	s2 =	smov.u32 s3;
	v2 =	vld [tilespmem:s5+$0x0]  }
.LBB2_24:
0x12b: {  	s14 =	sadd.s32 $0x10, s14  }
0x12c: {  	p2 =	slt.u32 s14, $0x230  }
.Ltmp20:
0x12d: {  	_ = 	snop;
	(pc) =	sbr.rel @p2 .LBB2_24-.Ltmp20, $3  }
0x12e: {  	_ =	sdelay $0x1  }
0x12f: {  	s5 =	sadd.s32 $0x10, s5;
	[tilespmem:s2+$0x0] =	vst.add.f32.msk $0xffff, v2;
	s2 =	sadd.s32 $0x10, s2  }
0x130: {  	v2 =	vld [tilespmem:s5+$0x0]  }
0x131: {  	_ =	sdelay $0x1  }
0x132: {  	p2 =	sgt.u32 s29, $0x16F8  }
0x133: {  	s5 =	sand.u32 @!p2 $0x1FF8, s29  }
0x134: {  	[tilespmem:s2+$0x0] =	vst.add.f32.msk $0xffff, v2;
	s2 =	sadd.s32 @!p2 s1, s5;
	s5 =	sand.u32 @!p2 $0x7, s29  }
0x135: {  	[hbm4b:s2+s5] =	stream.linear.scatter @!p2 [tilespmem:s3], [sflag:$0xC], $0x80, $0x38;
	[tilespmem:$0x181E8] =	vst v63  }
0x136: {  	s2 =	sadd.s32 @!p2 $0x80, s29  }
0x137: {  	s2 =	sand.u32 @!p2 $0x3FF8, s2  }
0x138: {  	s3 =	sadd.s32 @!p2 $0x508, s4;
	s2 =	sadd.s32 @!p2 s1, s2  }
0x139: {  	[hbm4b:s2+s5] =	stream.linear.scatter @!p2 [tilespmem:s3], [sflag:$0xC], $0x80, $0x38;
	[tilespmem:$0x181E8] =	vst v63  }
0x13a: {  	s2 =	sadd.s32 @!p2 $0x100, s29  }
0x13b: {  	s2 =	sand.u32 @!p2 $0x3FF8, s2  }
0x13c: {  	s3 =	sadd.s32 @!p2 $0x588, s4;
	s2 =	sadd.s32 @!p2 s1, s2  }
0x13d: {  	[hbm4b:s2+s5] =	stream.linear.scatter @!p2 [tilespmem:s3], [sflag:$0xC], $0x80, $0x38;
	[tilespmem:$0x181E8] =	vst v63  }
0x13e: {  	s2 =	sadd.s32 @!p2 $0x180, s29  }
0x13f: {  	s2 =	sand.u32 @!p2 $0x3FF8, s2  }
0x140: {  	s3 =	sadd.s32 @!p2 $0x608, s4;
	s2 =	sadd.s32 @!p2 s1, s2  }
0x141: {  	[hbm4b:s2+s5] =	stream.linear.scatter @!p2 [tilespmem:s3], [sflag:$0xC], $0x80, $0x38;
	[tilespmem:$0x181E8] =	vst v63  }
0x142: {  	s2 =	sadd.s32 @!p2 $0x200, s29;
	s3 =	simm.s32 $0x0  }
0x143: {  	s2 =	sand.u32 @!p2 $0x3FF8, s2;
	s3 =	simm.s32 @!p2 $0x900  }
0x144: {  	s4 =	sadd.s32 @!p2 $0x688, s4;
	s2 =	sadd.s32 @!p2 s1, s2;
	s31 =	sadd.s32 s3, s31  }
0x145: {  	[hbm4b:s2+s5] =	stream.linear.scatter @!p2 [tilespmem:s4], [sflag:$0xC], $0x40, $0x38;
	[tilespmem:$0x181E8] =	vst v63  }
.LBB2_26:
0x146: {  	s2 =	sadd.s32 $0x1, s23  }
0x147: {  	s23 =	sand.u32 $0x1F, s2  }
0x148: {  	s2 =	smul.u32 $0x900, s23;
	_ =	sdelay $0x1  }
0x149: {  	s2 =	sshrl.u32 s2, $0x2  }
0x14a: {  	s3 =	simm.s32 $0x0;
	v2 =	vld [tilespmem:s28+$0x0];
	s4 =	smov.u32 s28;
	s2 =	sadd.s32 $0x488, s2  }
.LBB2_27:
0x14b: {  	s3 =	sadd.s32 $0x10, s3  }
0x14c: {  	p2 =	slt.u32 s3, $0x230  }
.Ltmp21:
0x14d: {  	_ = 	snop;
	(pc) =	sbr.rel @p2 .LBB2_27-.Ltmp21, $3  }
0x14e: {  	_ =	sdelay $0x1  }
0x14f: {  	[tilespmem:s2+$0x0] =	vst v2;
	s2 =	sadd.s32 $0x10, s2;
	s4 =	sadd.s32 $0x10, s4  }
0x150: {  	v2 =	vld [tilespmem:s4+$0x0]  }
.Ltmp22:
0x151: {  	_ = 	snop;
	(pc) =	sbr.rel .LBB2_28-.Ltmp22, $1  }
0x152: {  	_ =	sdelay $0x3  }
.LBB2_31:
.Ltmp23:
0x153: {  	(pc) =	sbr.rel .LBB2_32-.Ltmp23, $4  }
0x154: {  	_ = 	snop  }
0x155: {  	s0 =	simm.s32 $0x2  }
0x156: {  	_ =	swait.ge [sflag:s0], $0x0  }
0x157: {  	s30 =	smov.u32 s29;
	[sflag:s0] =	ssyncset.done $0x0;
	s0 =	simm.s32 $0x0  }
.LBB2_34:
0x158: {  	_ =	sfence.sel $0x180000  }
0x159: {  	s0 =	simm.s32 $0x9;
	[bflag:$0x0] =	sbarrier.arrive $0xFFFF  }
0x15a: {  	s24 =	simm.s32 $0xA;
	[sflag:s0] =	ssyncpa.u1 $0x1  }
0x15b: {  	s25 =	simm.s32 $0xB;
	[sflag:s24] =	ssyncpa.u1 $0x1  }
0x15c: {  	s26 =	simm.s32 $0x2;
	[sflag:s25] =	ssyncpa.u1 $0x1  }
0x15d: {  	[sflag:s26] =	ssyncpa.u1 $0x1  }
0x15e: {  	v0 =	vld [tilespmem:$0x9908];
	_ =	sdelay $0x4  }
0x15f: {  	(v2sf) =	vpush v0, $0x0  }
0x160: {  	(v2sf) =	vpush v0, $0x1  }
0x161: {  	(v2sf) =	vpush v0, $0x2;
	_ =	sdelay $0xc  }
0x162: {  	s0 =	spop (v2sf)  }
0x163: {  	s2 =	spop (v2sf)  }
0x164: {  	s3 =	smov.u32 s0;
	p0 =	sne.s32 s0, s2;
	s4 =	spop (v2sf)  }
0x165: {  	s3 =	simm.s32 @!p0 $0xFFFFFFFF;
	p0 =	seq.s32 s4, $0xFFFFFFFF  }
0x166: {  	v2 =	vimm.s32 $0x1;
	v3 =	vlaneseq.u32;
	v1 =	vmov s3;
	p1 =	sne.s32 @!p0 s0, s2  }
0x167: {  	s18 =	stileid.u32;
	v0 =	vperm.xlane v0, v2;
	s0 =	simm.s32 @!p0 $0x1;
	v1 =	vperm.xlane v1, v3;
	p1 =	por !p1, p0  }
0x168: {  	vm0 =	vcmask $0x3F04;
	s3 =	sshll.u32 s18, $0x1;
	s2 =	smul.u32 @!p0 $0x900, s4;
	s0 =	simm.s32 @p1 $0x0  }
0x169: {  	s6 =	simm.s32 $0x9908;
	v0 =	vsel vm0, v1, v0;
	s0 =	sor.u32 @!p0 s0, s3  }
0x16a: {  	s5 =	sor.u32 $0x4800, s3;
	s2 =	sshra.s32 @!p0 s2, $0x2;
	[tilespmem:$0x9908] =	vst v0;
	s0 =	smul.u32 @!p0 $0x900, s0  }
0x16b: {  	[spmem:s5] =	stream.linear.scatter [tilespmem:s6], [sflag:$0x1], $0x2, $0x38;
	[tilespmem:$0x181E8] =	vst v63  }
0x16c: {  	s2 =	sadd.s32 @!p0 $0x488, s2;
	s0 =	sshrl.u32 @!p0 s0, $0x2  }
0x16d: {  	[spmem:s0] =	stream.linear.scatter @!p0 [tilespmem:s2], [sflag:$0x1], $0x240, $0x38;
	[tilespmem:$0x181E8] =	vst v63  }
0x16e: {  	s0 =	simm.s32 @!p0 $0x242  }
0x16f: {  	s28 =	simm.s32 $0x1;
	s0 =	simm.s32 @p0 $0x2  }
0x170: {  	_ =	swait.ge [sflag:s28], s0  }
0x171: {  	s0 =	ssub.s32 $0x0, s0;
	[sflag:s28] =	ssyncset.done $0x0  }
0x172: {  	p0 =	sne.s32 s18, $0x0;
	[sflag:s28] =	ssyncadd.s32 s0  }
.Ltmp24:
0x173: {  	_ =	sfence.stream.spmem;
	(pc) =	sbr.rel @p0 .LBB2_59-.Ltmp24, $4  }
0x174: {  	s29 =	simm.s32 $0x3;
	[bflag:$0x0] =	sbarrier.arrive $0xFFFF  }
0x175: {  	s30 =	simm.s32 $0x4;
	[sflag:s29] =	ssyncpa.u1 $0x1  }
0x176: {  	s31 =	simm.s32 $0x3C;
	[sflag:s30] =	ssyncpa.u1 $0x1  }
0x177: {  	s17 =	rddreg [dreg:$0x5];
	[sflag:s31] =	ssyncpa.u1 $0x1  }
0x178: {  	_ =	sfence.stream.spmem;
	s0 =	simm.s32 $0x5  }
0x179: {  	s2 =	simm.s32 $0x4800;
	s3 =	simm.s32 $0x9918;
	[sflag:s0] =	ssyncpa.u1 $0x0  }
0x17a: {  	[tilespmem:s3], [sflag:$0x5] =	stream.linear.gather [spmem:s2], $0x20, $0x38;
	[tilespmem:$0x181E8] =	vst v63  }
0x17b: {  	s26 =	simm.s32 $0x0;
	s28 =	simm.s32 $0x9938  }
0x17c: {  	[tilespmem:s28], [sflag:$0x5] =	stream.linear.gather [spmem:s26], $0x4800, $0x38;
	[tilespmem:$0x181E8] =	vst v63  }
0x17d: {  	_ =	swait.ge [sflag:s0], $0x4820  }
0x17e: {  	[sflag:s0] =	ssyncset.done $0x0  }
0x17f: {  	s29 =	simm.s32 $0x0;
	[sflag:s0] =	ssyncadd.s32 $0xFFFFB7E0  }
0x180: {  	v0 =	vld.msk [tilespmem:s29+$0x9918], $0x1;
	_ =	sdelay $0x1  }
0x181: {  	s30 =	simm.s32 $0x1  }
0x182: {  	v1 =	vld.msk [tilespmem:s30+$0x9918], $0x1;
	_ =	sdelay $0x1  }
0x183: {  	(v2sf) =	vpush v0, $0x0;
	_ =	sdelay $0x2  }
0x184: {  	(v2sf) =	vpush v1, $0x0;
	_ =	sdelay $0x2  }
0x185: {  	s31 =	simm.s32 $0x2  }
0x186: {  	v0 =	vld.msk [tilespmem:s31+$0x9918], $0x1;
	_ =	sdelay $0x2  }
0x187: {  	s4 =	simm.s32 $0xFFFFFFFF;
	s3 =	simm.s32 $0xFFFFFFFF;
	s0 =	simm.s32 $0xC  }
.LBB2_36:
0x188: {  	s2 =	smov.u32 s4;
	s5 =	smov.u32 s3  }
0x189: {  	s3 =	sshra.s32 s0, $0x2;
	p1 =	sne.s32 s0, $0x7C;
	s0 =	sadd.s32 $0x4, s0;
	(v2sf) =	vpush v0, $0x0  }
0x18a: {  	v0 =	vld.msk [tilespmem:s3+$0x9918], $0x1  }
.Ltmp25:
0x18b: {  	(pc) =	sbr.rel @p1 .LBB2_36-.Ltmp25, $4  }
0x18c: {  	s4 =	spop (v2sf)  }
0x18d: {  	p2 =	sne.s32 s5, $0xFFFFFFFF;
	s3 =	smov.u32 s4  }
0x18e: {  	p3 =	seq.s32 s4, $0xFFFFFFFF;
	s3 =	smov.u32 @p2 s5  }
0x18f: {  	s4 =	smov.u32 @p3 s2;
	s3 =	smov.u32 @p3 s5  }
0x190: {  	(v2sf) =	vpush v0, $0x0;
	_ =	sdelay $0x7  }
0x191: {  	s0 =	spop (v2sf)  }
0x192: {  	p1 =	sne.s32 s3, $0xFFFFFFFF;
	s9 =	simm.s32 $0x6;
	s6 =	simm.s32 $0x0  }
0x193: {  	s10 =	simm.s32 $0x9938;
	s11 =	simm.s32 $0x9748;
	s2 =	smov.u32 s0  }
0x194: {  	s12 =	simm.s32 $0x97C8;
	p2 =	seq.s32 s0, $0xFFFFFFFF;
	s2 =	smov.u32 @p1 s3  }
0x195: {  	s13 =	simm.s32 $0x9848;
	s2 =	smov.u32 @p2 s3;
	s3 =	spop (v2sf)  }
0x196: {  	s0 =	smov.u32 @p2 s4;
	p1 =	sne.s32 s2, $0xFFFFFFFF;
	s5 =	smov.u32 s3  }
.Ltmp26:
0x197: {  	p2 =	seq.s32 s3, $0xFFFFFFFF;
	s5 =	smov.u32 @p1 s2;
	(pc) =	sbr.rel .LBB2_38-.Ltmp26, $4  }
0x198: {  	s14 =	simm.s32 $0x98C8;
	s5 =	smov.u32 @p2 s2;
	s7 =	spop (v2sf)  }
0x199: {  	s15 =	simm.s32 $0x0;
	p1 =	sne.s32 s5, $0xFFFFFFFF;
	s8 =	smov.u32 s7  }
0x19a: {  	s3 =	smov.u32 @p2 s0;
	p2 =	seq.s32 s7, $0xFFFFFFFF;
	s8 =	smov.u32 @p1 s5  }
0x19b: {  	[sflag:s9] =	ssyncpa.u1 $0x0;
	s7 =	smov.u32 @p2 s3;
	s8 =	smov.u32 @p2 s5  }
.LBB2_53:
0x19c: {  	s15 =	sadd.s32 $0x1, s15  }
0x19d: {  	p1 =	sne.s32 s15, $0x20  }
.Ltmp27:
0x19e: {  	_ = 	snop;
	(pc) =	sbr.rel @!p1 .LBB2_54-.Ltmp27, $2  }
0x19f: {  	_ =	sdelay $0x2  }
0x1a0: {  	s10 =	sadd.s32 $0x240, s10  }
.LBB2_38:
0x1a1: {  	v0 =	vld.msk [tilespmem:s15+$0x9918], $0x1;
	_ =	sdelay $0x4  }
0x1a2: {  	(v2sf) =	vpush v0, $0x0;
	_ =	sdelay $0xe  }
0x1a3: {  	s0 =	spop (v2sf)  }
0x1a4: {  	p1 =	seq.s32 s0, $0xFFFFFFFF  }
.Ltmp28:
0x1a5: {  	_ = 	snop;
	(pc) =	sbr.rel @p1 .LBB2_53-.Ltmp28, $1  }
0x1a6: {  	_ =	sdelay $0x3  }
0x1a7: {  	p1 =	slt.s32 s6, $0x1  }
.Ltmp29:
0x1a8: {  	_ = 	snop;
	(pc) =	sbr.rel @p1 .LBB2_46-.Ltmp29, $1  }
0x1a9: {  	_ =	sdelay $0x3  }
0x1aa: {  	s4 =	simm.s32 $0x9918;
	p1 =	por $0x0, $0x0  }
0x1ab: {  	v1 =	vld.msk @!p1 [tilespmem:s4+$0x0], $0x1;
	_ =	sdelay $0x4  }
0x1ac: {  	(v2sf) =	vpush @!p1 v1, $0x0;
	_ =	sdelay $0xd  }
0x1ad: {  	p3 =	sne.s32 s6, $0x1  }
.Ltmp30:
0x1ae: {  	s2 =	spop @!p1 (v2sf);
	(pc) =	sbr.rel @!p3 .LBB2_42-.Ltmp30, $4  }
0x1af: {  	p2 =	seq.s32 @!p1 s0, s2  }
0x1b0: {  	s3 =	simm.s32 $0x0;
	p2 =	por !p2, p1  }
0x1b1: {  	s2 =	simm.s32 $0xFFFFFFFF;
	s3 =	simm.s32 @p2 $0xFFFFFFFF  }
0x1b2: {  	s5 =	simm.s32 $0x1;
	s3 =	smov.u32 @p1 s2  }
.LBB2_41:
0x1b3: {  	s2 =	smov.u32 s3;
	p1 =	sne.s32 s3, $0xFFFFFFFF  }
0x1b4: {  	s4 =	sadd.s32 $0x1, s4;
	s3 =	smov.u32 s5;
	s5 =	sadd.s32 $0x1, s5  }
0x1b5: {  	p2 =	sne.s32 s6, s5;
	v1 =	vld.msk @!p1 [tilespmem:s4+$0x0], $0x1;
	_ =	sdelay $0x4  }
0x1b6: {  	(v2sf) =	vpush @!p1 v1, $0x0;
	_ =	sdelay $0xe  }
.Ltmp31:
0x1b7: {  	s16 =	spop @!p1 (v2sf);
	(pc) =	sbr.rel @p2 .LBB2_41-.Ltmp31, $4  }
0x1b8: {  	p3 =	seq.s32 @!p1 s0, s16  }
0x1b9: {  	p3 =	por !p3, p1  }
0x1ba: {  	s3 =	simm.s32 @p3 $0xFFFFFFFF  }
0x1bb: {  	s3 =	smov.u32 @p1 s2  }
.LBB2_42:
0x1bc: {  	p1 =	seq.s32 s3, $0xFFFFFFFF  }
.Ltmp32:
0x1bd: {  	_ = 	snop;
	(pc) =	sbr.rel @p1 .LBB2_46-.Ltmp32, $1  }
0x1be: {  	_ =	sdelay $0x3  }
0x1bf: {  	s0 =	smul.u32 $0x900, s3;
	_ =	sdelay $0x1  }
0x1c0: {  	s0 =	sshra.s32 s0, $0x2  }
0x1c1: {  	s2 =	simm.s32 $0x0;
	v0 =	vld [tilespmem:s10+$0x0];
	s3 =	smov.u32 s10;
	s0 =	sadd.s32 $0x9938, s0  }
.LBB2_44:
0x1c2: {  	s2 =	sadd.s32 $0x10, s2  }
0x1c3: {  	p1 =	slt.u32 s2, $0x230  }
.Ltmp33:
0x1c4: {  	_ = 	snop;
	(pc) =	sbr.rel @p1 .LBB2_44-.Ltmp33, $3  }
0x1c5: {  	_ =	sdelay $0x1  }
0x1c6: {  	s3 =	sadd.s32 $0x10, s3;
	[tilespmem:s0+$0x0] =	vst.add.f32.msk $0xffff, v0;
	s0 =	sadd.s32 $0x10, s0  }
0x1c7: {  	v0 =	vld [tilespmem:s3+$0x0]  }
.Ltmp34:
0x1c8: {  	_ = 	snop;
	(pc) =	sbr.rel .LBB2_53-.Ltmp34, $2  }
0x1c9: {  	_ =	sdelay $0x2  }
0x1ca: {  	[tilespmem:s0+$0x0] =	vst.add.f32.msk $0xffff, v0  }
.LBB2_46:
0x1cb: {  	p1 =	sgt.u32 s0, $0x16F8  }
0x1cc: {  	p2 =	seq.s32 @!p1 s0, s8  }
0x1cd: {  	p1 =	por p1, p2  }
0x1ce: {  	p2 =	seq.s32 @!p1 s0, s7  }
0x1cf: {  	p1 =	por p1, p2  }
.Ltmp35:
0x1d0: {  	_ = 	snop;
	(pc) =	sbr.rel @p1 .LBB2_50-.Ltmp35, $1  }
0x1d1: {  	_ =	sdelay $0x3  }
0x1d2: {  	s2 =	sand.u32 $0x1FF8, s0;
	s4 =	sand.u32 $0x7, s0  }
0x1d3: {  	s3 =	simm.s32 $0x96C8;
	s28 =	sadd.s32 $0x80, s0;
	s2 =	sadd.s32 s1, s2  }
0x1d4: {  	[tilespmem:s3], [sflag:$0x6] =	stream.linear.gather [hbm4b:s2+s4], $0x80, $0x38;
	[tilespmem:$0x181E8] =	vst v63  }
0x1d5: {  	s2 =	sand.u32 $0x3FF8, s28  }
0x1d6: {  	s29 =	sadd.s32 $0x100, s0;
	s2 =	sadd.s32 s1, s2  }
0x1d7: {  	[tilespmem:s11], [sflag:$0x6] =	stream.linear.gather [hbm4b:s2+s4], $0x80, $0x38;
	[tilespmem:$0x181E8] =	vst v63  }
0x1d8: {  	s2 =	sand.u32 $0x3FF8, s29  }
0x1d9: {  	s30 =	sadd.s32 $0x180, s0;
	s2 =	sadd.s32 s1, s2  }
0x1da: {  	[tilespmem:s12], [sflag:$0x6] =	stream.linear.gather [hbm4b:s2+s4], $0x80, $0x38;
	[tilespmem:$0x181E8] =	vst v63  }
0x1db: {  	s31 =	sadd.s32 $0x200, s0;
	s2 =	sand.u32 $0x3FF8, s30  }
0x1dc: {  	s0 =	sand.u32 $0x3FF8, s31;
	s2 =	sadd.s32 s1, s2  }
0x1dd: {  	[tilespmem:s13], [sflag:$0x6] =	stream.linear.gather [hbm4b:s2+s4], $0x80, $0x38;
	[tilespmem:$0x181E8] =	vst v63  }
0x1de: {  	s0 =	sadd.s32 s1, s0  }
0x1df: {  	[tilespmem:s14], [sflag:$0x6] =	stream.linear.gather [hbm4b:s0+s4], $0x40, $0x38;
	[tilespmem:$0x181E8] =	vst v63  }
0x1e0: {  	_ =	swait.ge [sflag:s9], $0x240  }
0x1e1: {  	[sflag:s9] =	ssyncset.done $0x0  }
0x1e2: {  	[sflag:s9] =	ssyncadd.s32 $0xFFFFFDC0  }
0x1e3: {  	s2 =	smov.u32 s10;
	s0 =	simm.s32 $0x0;
	v1 =	vld [tilespmem:s3+$0x0]  }
.LBB2_48:
0x1e4: {  	s0 =	sadd.s32 $0x10, s0  }
0x1e5: {  	p1 =	slt.u32 s0, $0x230  }
.Ltmp36:
0x1e6: {  	_ = 	snop;
	(pc) =	sbr.rel @p1 .LBB2_48-.Ltmp36, $3  }
0x1e7: {  	_ =	sdelay $0x1  }
0x1e8: {  	s3 =	sadd.s32 $0x10, s3;
	[tilespmem:s2+$0x0] =	vst.add.f32.msk $0xffff, v1;
	s2 =	sadd.s32 $0x10, s2  }
0x1e9: {  	v1 =	vld [tilespmem:s3+$0x0]  }
0x1ea: {  	_ =	sdelay $0x3  }
0x1eb: {  	[tilespmem:s2+$0x0] =	vst.add.f32.msk $0xffff, v1  }
.LBB2_50:
0x1ec: {  	s0 =	smul.u32 $0x900, s6;
	_ =	sdelay $0x1  }
0x1ed: {  	[tilespmem:s6+$0x9918] =	vst.msk $0x1, v0;
	s0 =	sshra.s32 s0, $0x2  }
0x1ee: {  	s2 =	simm.s32 $0x0;
	s3 =	smov.u32 s10;
	v0 =	vld [tilespmem:s10+$0x0];
	s0 =	sadd.s32 $0x9938, s0  }
.LBB2_51:
0x1ef: {  	s2 =	sadd.s32 $0x10, s2  }
0x1f0: {  	p1 =	slt.u32 s2, $0x230  }
.Ltmp37:
0x1f1: {  	_ = 	snop;
	(pc) =	sbr.rel @p1 .LBB2_51-.Ltmp37, $3  }
0x1f2: {  	_ =	sdelay $0x1  }
0x1f3: {  	s3 =	sadd.s32 $0x10, s3;
	[tilespmem:s0+$0x0] =	vst v0;
	s0 =	sadd.s32 $0x10, s0  }
0x1f4: {  	v0 =	vld [tilespmem:s3+$0x0]  }
.Ltmp38:
0x1f5: {  	_ = 	snop;
	(pc) =	sbr.rel .LBB2_53-.Ltmp38, $2  }
0x1f6: {  	_ =	sdelay $0x2  }
0x1f7: {  	s6 =	sadd.s32 $0x1, s6;
	[tilespmem:s0+$0x0] =	vst v0  }
.LBB2_54:
0x1f8: {  	s0 =	simm.s32 $0x6;
	p1 =	seq.s32 s6, $0x0  }
0x1f9: {  	[sflag:s0] =	ssyncpa.u1 $0x1;
	v0 =	vimm.s32 @p1 $0xFFFFFFFF  }
0x1fa: {  	s0 =	sadd.s32 $0xFFFFFFFF, s6;
	[tilespmem:$0xE138] =	vst @p1 v0  }
0x1fb: {  	v0 =	vld.msk @!p1 [tilespmem:s0+$0x9918], $0x1;
	_ =	sdelay $0x1  }
0x1fc: {  	v1 =	vld.msk @!p1 [tilespmem:$0x9918], $0x1;
	_ =	sdelay $0x2  }
0x1fd: {  	p2 =	seq.s32 @!p1 s0, $0x0;
	v0 =	vbroadcast @!p1 v0, $0x0  }
0x1fe: {  	vm0 =	vmmov @!p1 $0x1;
	p3 =	por !p2, p1  }
0x1ff: {  	p2 =	sne.s32 @!p1 s8, s7;
	v1 =	vnsel @!p1 vm0, $0xFFFFFFFF, v1;
	vm0 =	vcmask @!p1 $0x308;
	v0 =	vpsel !p3, $0xFFFFFFFF, v0  }
0x200: {  	p3 =	por !p2, p1;
	v0 =	vsel @!p1 vm0, v1, v0  }
0x201: {  	s2 =	simm.s32 @!p1 $0x9938;
	s3 =	simm.s32 @!p1 $0x0;
	s4 =	smul.u32 @!p3 $0x900, s0;
	[tilespmem:$0xE138] =	vst @!p1 v0  }
0x202: {  	[spmem:s3] =	stream.linear.scatter @!p1 [tilespmem:s2], [sflag:$0x1], $0x240, $0x38;
	[tilespmem:$0x181E8] =	vst v63  }
0x203: {  	s2 =	sshra.s32 @!p3 s4, $0x2  }
0x204: {  	s3 =	simm.s32 @!p3 $0x240;
	s2 =	sadd.s32 @!p3 $0x9938, s2  }
0x205: {  	[spmem:s3] =	stream.linear.scatter @!p3 [tilespmem:s2], [sflag:$0x1], $0x240, $0x38;
	[tilespmem:$0x181E8] =	vst v63  }
0x206: {  	s2 =	simm.s32 @!p3 $0x1  }
0x207: {  	_ =	swait.ge @!p3 [sflag:s2], $0x480  }
0x208: {  	p1 =	por p2, p1;
	[sflag:s2] =	ssyncset.done @!p3 $0x0  }
0x209: {  	[sflag:s2] =	ssyncadd.s32 @!p3 $0xFFFFFB80;
	s2 =	simm.s32 @!p1 $0x1  }
0x20a: {  	_ =	swait.ge @!p1 [sflag:s2], $0x240  }
0x20b: {  	s29 =	simm.s32 $0xE138;
	[sflag:s2] =	ssyncset.done @!p1 $0x0  }
0x20c: {  	s30 =	simm.s32 $0x4800;
	s31 =	simm.s32 $0x1;
	[sflag:s2] =	ssyncadd.s32 @!p1 $0xFFFFFDC0  }
0x20d: {  	[spmem:s30] =	stream.linear.scatter [tilespmem:s29], [sflag:$0x1], $0x10, $0x38;
	[tilespmem:$0x181E8] =	vst v63  }
0x20e: {  	_ =	swait.ge [sflag:s31], $0x10  }
0x20f: {  	[sflag:s31] =	ssyncset.done $0x0  }
0x210: {  	p1 =	seq.s32 s17, $0x0;
	s9 =	rddreg [dreg:$0x2];
	[sflag:s31] =	ssyncadd.s32 $0xFFFFFFF0  }
0x211: {  	s3 =	sshll.u32 @p1 s9, $0xE;
	s8 =	rddreg [dreg:$0x3]  }
0x212: {  	s2 =	sadd.s32 @p1 $0x15C3C, s3;
	s3 =	sshll.u32 @p1 s8, $0x11  }
0x213: {  	_ =	sfence.stream.spmem;
	s2 =	sor.u32 @p1 s3, s2  }
0x214: {  	[sflag:s2] =	ssyncadd.remote.s32 @p1 $0x1;
	s2 =	simm.s32 @p1 $0x4  }
0x215: {  	s4 =	simm.s32 @!p1 $0x3C;
	s3 =	sand.u32 $0xFFFFFFFE, s9;
	_ =	swait.ge @p1 [sflag:s2], $0x92  }
0x216: {  	s5 =	simm.s32 @!p1 $0x0;
	s3 =	sadd.s32 @!p1 $0x4, s3;
	[sflag:s2] =	ssyncset.done @p1 $0x0  }
0x217: {  	s7 =	simm.s32 @!p1 $0x480;
	[sflag:s2] =	ssyncadd.s32 @p1 $0xFFFFFF6E;
	s2 =	sshll.u32 @!p1 s3, $0x1A  }
0x218: {  	s3 =	sshll.u32 @!p1 s3, $0xD;
	s2 =	sor.u32 @!p1 s2, s8;
	_ =	swait.eq @!p1 [sflag:s4], $0x1  }
0x219: {  	s3 =	sor.u32 @!p1 $0x1C04, s3;
	s4 =	simm.s32 @!p1 $0x1C03;
	s2 =	sor.u32 @!p1 $0x80004000, s2  }
0x21a: {  	[spmem:s7], [sflag:s3] =	dma.general @!p1 [spmem:s5], [sflag:s4], length:$0x90, [dreg:$0x0], stride_count:$0x0, ici_dest:s2, dma_misc:DstOpCode:WRITE  }
0x21b: {  	p2 =	slt.s32 s0, $0x2;
	s5 =	simm.s32 @!p1 $0x900;
	s7 =	simm.s32 @!p1 $0x902  }
0x21c: {  	[spmem:s7], [sflag:s3] =	dma.general @!p1 [spmem:s5], [sflag:s4], length:$0x2, [dreg:$0x0], stride_count:$0x0, ici_dest:s2, dma_misc:DstOpCode:WRITE  }
.Ltmp39:
0x21d: {  	s2 =	simm.s32 @!p1 $0x3;
	(pc) =	sbr.rel @p2 .LBB2_58-.Ltmp39, $4  }
0x21e: {  	s3 =	sshll.u32 @!p1 s9, $0xE;
	_ =	swait.ge @!p1 [sflag:s2], $0x92  }
0x21f: {  	s4 =	sshll.u32 @!p1 s8, $0x11;
	s3 =	sadd.s32 @!p1 $0x11C3C, s3;
	[sflag:s2] =	ssyncset.done @!p1 $0x0  }
0x220: {  	[sflag:s2] =	ssyncadd.s32 @!p1 $0xFFFFFF6E;
	s2 =	sor.u32 @!p1 s4, s3  }
0x221: {  	s0 =	simm.s32 $0x0;
	[sflag:s2] =	ssyncadd.remote.s32 @!p1 $0xFFFFFFFF  }
0x222: {  	s0 =	simm.s32 $0x9919  }
0x223: {  	v0 =	vld.msk [tilespmem:s0+$0x0], $0x1;
	_ =	sdelay $0x4  }
0x224: {  	(v2sf) =	vpush v0, $0x0;
	_ =	sdelay $0xe  }
0x225: {  	s2 =	spop (v2sf)  }
0x226: {  	s3 =	sadd.s32 $0xFFFFFFFE, s6;
	s0 =	simm.s32 $0x9B78;
	p1 =	sgt.u32 s2, $0x16F8  }
0x227: {  	s4 =	sand.u32 @!p1 $0x1FF8, s2;
	s5 =	sadd.s32 @!p1 $0x80, s2;
	s6 =	sadd.s32 @!p1 $0x100, s2  }
0x228: {  	s8 =	sand.u32 @!p1 $0x7, s2;
	s4 =	sadd.s32 @!p1 s1, s4;
	s5 =	sand.u32 @!p1 $0x3FF8, s5  }
0x229: {  	[hbm4b:s4+s8] =	stream.linear.scatter @!p1 [tilespmem:s0], [sflag:$0x5], $0x80, $0x38;
	[tilespmem:$0x181E8] =	vst v63  }
0x22a: {  	s6 =	sand.u32 @!p1 $0x3FF8, s6;
	s4 =	simm.s32 @!p1 $0x9BF8;
	s5 =	sadd.s32 @!p1 s1, s5  }
0x22b: {  	[hbm4b:s5+s8] =	stream.linear.scatter @!p1 [tilespmem:s4], [sflag:$0x5], $0x80, $0x38;
	[tilespmem:$0x181E8] =	vst v63  }
0x22c: {  	s4 =	simm.s32 @!p1 $0x9C78;
	s5 =	sadd.s32 @!p1 s1, s6  }
0x22d: {  	[hbm4b:s5+s8] =	stream.linear.scatter @!p1 [tilespmem:s4], [sflag:$0x5], $0x80, $0x38;
	[tilespmem:$0x181E8] =	vst v63  }
0x22e: {  	s5 =	sadd.s32 $0xFFFFFFFF, s3  }
0x22f: {  	s6 =	sadd.s32 @!p1 $0x180, s2;
	p2 =	sne.s32 s5, $0x0  }
.Ltmp40:
0x230: {  	s3 =	sand.u32 @!p1 $0x3FF8, s6;
	(pc) =	sbr.rel @!p2 .LBB2_57-.Ltmp40, $4  }
0x231: {  	s2 =	sadd.s32 @!p1 $0x200, s2;
	s6 =	simm.s32 @!p1 $0x9CF8;
	s3 =	sadd.s32 @!p1 s1, s3  }
0x232: {  	[hbm4b:s3+s8] =	stream.linear.scatter @!p1 [tilespmem:s6], [sflag:$0x5], $0x80, $0x38;
	[tilespmem:$0x181E8] =	vst v63  }
0x233: {  	s7 =	simm.s32 $0x9DB8;
	s2 =	sand.u32 @!p1 $0x3FF8, s2;
	s3 =	simm.s32 $0x0  }
0x234: {  	s4 =	simm.s32 $0x0;
	s6 =	simm.s32 $0x991A;
	s3 =	simm.s32 @!p1 $0x900  }
.LBB2_56:
0x235: {  	s0 =	sadd.s32 @!p1 $0x200, s0;
	s2 =	sadd.s32 @!p1 s1, s2;
	s4 =	sadd.s32 s4, s3  }
0x236: {  	[hbm4b:s2+s8] =	stream.linear.scatter @!p1 [tilespmem:s0], [sflag:$0x5], $0x40, $0x38;
	[tilespmem:$0x181E8] =	vst v63  }
0x237: {  	s5 =	sadd.s32 $0xFFFFFFFF, s5;
	s0 =	smov.u32 s7;
	v0 =	vld.msk [tilespmem:s6+$0x0], $0x1  }
0x238: {  	p2 =	sne.s32 s5, $0x0;
	_ =	sdelay $0x3  }
0x239: {  	(v2sf) =	vpush v0, $0x0;
	_ =	sdelay $0xe  }
0x23a: {  	s2 =	spop (v2sf)  }
0x23b: {  	s7 =	sadd.s32 $0x240, s7;
	s6 =	sadd.s32 $0x1, s6;
	p1 =	sgt.u32 s2, $0x16F8  }
0x23c: {  	s3 =	sand.u32 @!p1 $0x1FF8, s2;
	s9 =	sadd.s32 @!p1 $0x80, s2;
	s10 =	sadd.s32 @!p1 $0x100, s2  }
0x23d: {  	s8 =	sand.u32 @!p1 $0x7, s2;
	s3 =	sadd.s32 @!p1 s1, s3;
	s9 =	sand.u32 @!p1 $0x3FF8, s9  }
0x23e: {  	[hbm4b:s3+s8] =	stream.linear.scatter @!p1 [tilespmem:s0], [sflag:$0x5], $0x80, $0x38;
	[tilespmem:$0x181E8] =	vst v63  }
0x23f: {  	s10 =	sand.u32 @!p1 $0x3FF8, s10;
	s3 =	sadd.s32 @!p1 $0x80, s0;
	s9 =	sadd.s32 @!p1 s1, s9  }
0x240: {  	[hbm4b:s9+s8] =	stream.linear.scatter @!p1 [tilespmem:s3], [sflag:$0x5], $0x80, $0x38;
	[tilespmem:$0x181E8] =	vst v63  }
0x241: {  	s3 =	sadd.s32 @!p1 $0x100, s0;
	s9 =	sadd.s32 @!p1 s1, s10  }
.Ltmp41:
0x242: {  	s10 =	sadd.s32 @!p1 $0x180, s2;
	s2 =	sadd.s32 @!p1 $0x200, s2;
	(pc) =	sbr.rel @p2 .LBB2_56-.Ltmp41, $4  }
0x243: {  	[hbm4b:s9+s8] =	stream.linear.scatter @!p1 [tilespmem:s3], [sflag:$0x5], $0x80, $0x38;
	[tilespmem:$0x181E8] =	vst v63  }
0x244: {  	s10 =	sand.u32 @!p1 $0x3FF8, s10;
	s9 =	sadd.s32 @!p1 $0x180, s0;
	s3 =	simm.s32 $0x0  }
0x245: {  	s2 =	sand.u32 @!p1 $0x3FF8, s2;
	s10 =	sadd.s32 @!p1 s1, s10;
	s3 =	simm.s32 @!p1 $0x900  }
0x246: {  	[hbm4b:s10+s8] =	stream.linear.scatter @!p1 [tilespmem:s9], [sflag:$0x5], $0x80, $0x38;
	[tilespmem:$0x181E8] =	vst v63  }
.LBB2_57:
0x247: {  	s0 =	sadd.s32 @!p1 $0x200, s0;
	s2 =	sadd.s32 @!p1 s1, s2;
	s31 =	sadd.s32 s4, s3  }
0x248: {  	[hbm4b:s2+s8] =	stream.linear.scatter @!p1 [tilespmem:s0], [sflag:$0x5], $0x40, $0x38;
	[tilespmem:$0x181E8] =	vst v63  }
0x249: {  	s0 =	sshrl.u32 s31, $0x2  }
.LBB2_58:
0x24a: {  	s2 =	simm.s32 $0x5  }
0x24b: {  	_ =	swait.ge [sflag:s2], s0  }
0x24c: {  	s31 =	ssub.s32 $0x0, s0;
	[sflag:s2] =	ssyncset.done $0x0  }
0x24d: {  	[sflag:s2] =	ssyncadd.s32 s31  }
0x24e: {  	[sflag:s2] =	ssyncpa.u1 $0x1  }
.LBB2_59:
0x24f: {  	s0 =	sor.u32 s17, s18  }
0x250: {  	p1 =	sne.s32 s0, $0x0  }
.Ltmp42:
0x251: {  	_ = 	snop;
	(pc) =	sbr.rel @p1 .LBB2_82-.Ltmp42, $3  }
0x252: {  	_ =	sdelay $0x1  }
0x253: {  	[bflag:$0x0] =	sbarrier.arrive $0xFFFF  }
0x254: {  	_ =	sfence  }
0x255: {  	s0 =	simm.s32 $0x7  }
0x256: {  	s2 =	simm.s32 $0x4800;
	s3 =	simm.s32 $0x9918;
	[sflag:s0] =	ssyncpa.u1 $0x0  }
0x257: {  	[tilespmem:s3], [sflag:$0x7] =	stream.linear.gather [spmem:s2], $0x20, $0x38;
	[tilespmem:$0x181E8] =	vst v63  }
0x258: {  	s2 =	simm.s32 $0x0;
	s3 =	simm.s32 $0x9938  }
0x259: {  	[tilespmem:s3], [sflag:$0x7] =	stream.linear.gather [spmem:s2], $0x4800, $0x38;
	[tilespmem:$0x181E8] =	vst v63  }
.Ltmp43:
0x25a: {  	_ = 	snop;
	(pc) =	sbr.rel .LBB2_61-.Ltmp43, $4  }
0x25b: {  	_ =	swait.ge [sflag:s0], $0x4820  }
0x25c: {  	s4 =	simm.s32 $0x8;
	s5 =	simm.s32 $0x9748;
	[sflag:s0] =	ssyncset.done $0x0  }
0x25d: {  	s6 =	simm.s32 $0x97C8;
	s7 =	simm.s32 $0x9848;
	[sflag:s0] =	ssyncadd.s32 $0xFFFFB7E0  }
0x25e: {  	s8 =	simm.s32 $0x98C8;
	s9 =	simm.s32 $0x0;
	[sflag:s4] =	ssyncpa.u1 $0x0  }
.LBB2_76:
0x25f: {  	s9 =	sadd.s32 $0x1, s9  }
0x260: {  	p1 =	sne.s32 s9, $0x20  }
.Ltmp44:
0x261: {  	_ = 	snop;
	(pc) =	sbr.rel @!p1 .LBB2_77-.Ltmp44, $2  }
0x262: {  	_ =	sdelay $0x2  }
0x263: {  	s3 =	sadd.s32 $0x240, s3  }
.LBB2_61:
0x264: {  	v0 =	vld.msk [tilespmem:s9+$0x9918], $0x1;
	_ =	sdelay $0x4  }
0x265: {  	(v2sf) =	vpush v0, $0x0;
	_ =	sdelay $0xe  }
0x266: {  	s0 =	spop (v2sf)  }
0x267: {  	p1 =	seq.s32 s0, $0xFFFFFFFF  }
.Ltmp45:
0x268: {  	_ = 	snop;
	(pc) =	sbr.rel @p1 .LBB2_76-.Ltmp45, $1  }
0x269: {  	_ =	sdelay $0x3  }
0x26a: {  	p1 =	slt.s32 s2, $0x1  }
.Ltmp46:
0x26b: {  	_ = 	snop;
	(pc) =	sbr.rel @p1 .LBB2_69-.Ltmp46, $1  }
0x26c: {  	_ =	sdelay $0x3  }
0x26d: {  	s10 =	simm.s32 $0x9918;
	p1 =	por $0x0, $0x0  }
0x26e: {  	v1 =	vld.msk @!p1 [tilespmem:s10+$0x0], $0x1;
	_ =	sdelay $0x4  }
0x26f: {  	(v2sf) =	vpush @!p1 v1, $0x0;
	_ =	sdelay $0xd  }
0x270: {  	p3 =	sne.s32 s2, $0x1  }
.Ltmp47:
0x271: {  	s11 =	spop @!p1 (v2sf);
	(pc) =	sbr.rel @!p3 .LBB2_65-.Ltmp47, $4  }
0x272: {  	p2 =	seq.s32 @!p1 s0, s11  }
0x273: {  	s11 =	simm.s32 $0x0;
	p2 =	por !p2, p1  }
0x274: {  	s13 =	simm.s32 $0xFFFFFFFF;
	s11 =	simm.s32 @p2 $0xFFFFFFFF  }
0x275: {  	s12 =	simm.s32 $0x1;
	s11 =	smov.u32 @p1 s13  }
.LBB2_64:
0x276: {  	s13 =	smov.u32 s11;
	p1 =	sne.s32 s11, $0xFFFFFFFF  }
0x277: {  	s10 =	sadd.s32 $0x1, s10;
	s11 =	smov.u32 s12;
	s12 =	sadd.s32 $0x1, s12  }
0x278: {  	p2 =	sne.s32 s2, s12;
	v1 =	vld.msk @!p1 [tilespmem:s10+$0x0], $0x1;
	_ =	sdelay $0x4  }
0x279: {  	(v2sf) =	vpush @!p1 v1, $0x0;
	_ =	sdelay $0xe  }
.Ltmp48:
0x27a: {  	s14 =	spop @!p1 (v2sf);
	(pc) =	sbr.rel @p2 .LBB2_64-.Ltmp48, $4  }
0x27b: {  	p3 =	seq.s32 @!p1 s0, s14  }
0x27c: {  	p3 =	por !p3, p1  }
0x27d: {  	s11 =	simm.s32 @p3 $0xFFFFFFFF  }
0x27e: {  	s11 =	smov.u32 @p1 s13  }
.LBB2_65:
0x27f: {  	p1 =	seq.s32 s11, $0xFFFFFFFF  }
.Ltmp49:
0x280: {  	_ = 	snop;
	(pc) =	sbr.rel @p1 .LBB2_69-.Ltmp49, $1  }
0x281: {  	_ =	sdelay $0x3  }
0x282: {  	s0 =	smul.u32 $0x900, s11;
	_ =	sdelay $0x1  }
0x283: {  	s0 =	sshra.s32 s0, $0x2  }
0x284: {  	s10 =	simm.s32 $0x0;
	v0 =	vld [tilespmem:s3+$0x0];
	s11 =	smov.u32 s3;
	s0 =	sadd.s32 $0x9938, s0  }
.LBB2_67:
0x285: {  	s10 =	sadd.s32 $0x10, s10  }
0x286: {  	p1 =	slt.u32 s10, $0x230  }
.Ltmp50:
0x287: {  	_ = 	snop;
	(pc) =	sbr.rel @p1 .LBB2_67-.Ltmp50, $3  }
0x288: {  	_ =	sdelay $0x1  }
0x289: {  	s11 =	sadd.s32 $0x10, s11;
	[tilespmem:s0+$0x0] =	vst.add.f32.msk $0xffff, v0;
	s0 =	sadd.s32 $0x10, s0  }
0x28a: {  	v0 =	vld [tilespmem:s11+$0x0]  }
.Ltmp51:
0x28b: {  	_ = 	snop;
	(pc) =	sbr.rel .LBB2_76-.Ltmp51, $2  }
0x28c: {  	_ =	sdelay $0x2  }
0x28d: {  	[tilespmem:s0+$0x0] =	vst.add.f32.msk $0xffff, v0  }
.LBB2_69:
0x28e: {  	p1 =	sgt.u32 s0, $0x16F8  }
.Ltmp52:
0x28f: {  	_ = 	snop;
	(pc) =	sbr.rel @p1 .LBB2_73-.Ltmp52, $1  }
0x290: {  	_ =	sdelay $0x3  }
0x291: {  	s10 =	sand.u32 $0x1FF8, s0;
	s12 =	sand.u32 $0x7, s0  }
0x292: {  	s28 =	sadd.s32 $0x80, s0;
	s11 =	sadd.s32 s1, s10;
	s10 =	simm.s32 $0x96C8  }
0x293: {  	[tilespmem:s10], [sflag:$0x8] =	stream.linear.gather [hbm4b:s11+s12], $0x80, $0x38;
	[tilespmem:$0x181E8] =	vst v63  }
0x294: {  	s11 =	sand.u32 $0x3FF8, s28  }
0x295: {  	s29 =	sadd.s32 $0x100, s0;
	s11 =	sadd.s32 s1, s11  }
0x296: {  	[tilespmem:s5], [sflag:$0x8] =	stream.linear.gather [hbm4b:s11+s12], $0x80, $0x38;
	[tilespmem:$0x181E8] =	vst v63  }
0x297: {  	s11 =	sand.u32 $0x3FF8, s29  }
0x298: {  	s30 =	sadd.s32 $0x180, s0;
	s11 =	sadd.s32 s1, s11  }
0x299: {  	[tilespmem:s6], [sflag:$0x8] =	stream.linear.gather [hbm4b:s11+s12], $0x80, $0x38;
	[tilespmem:$0x181E8] =	vst v63  }
0x29a: {  	s31 =	sadd.s32 $0x200, s0;
	s11 =	sand.u32 $0x3FF8, s30  }
0x29b: {  	s0 =	sand.u32 $0x3FF8, s31;
	s11 =	sadd.s32 s1, s11  }
0x29c: {  	[tilespmem:s7], [sflag:$0x8] =	stream.linear.gather [hbm4b:s11+s12], $0x80, $0x38;
	[tilespmem:$0x181E8] =	vst v63  }
0x29d: {  	s0 =	sadd.s32 s1, s0  }
0x29e: {  	[tilespmem:s8], [sflag:$0x8] =	stream.linear.gather [hbm4b:s0+s12], $0x40, $0x38;
	[tilespmem:$0x181E8] =	vst v63  }
0x29f: {  	_ =	swait.ge [sflag:s4], $0x240  }
0x2a0: {  	[sflag:s4] =	ssyncset.done $0x0  }
0x2a1: {  	[sflag:s4] =	ssyncadd.s32 $0xFFFFFDC0  }
0x2a2: {  	s11 =	smov.u32 s3;
	s0 =	simm.s32 $0x0;
	v1 =	vld [tilespmem:s10+$0x0]  }
.LBB2_71:
0x2a3: {  	s0 =	sadd.s32 $0x10, s0  }
0x2a4: {  	p1 =	slt.u32 s0, $0x230  }
.Ltmp53:
0x2a5: {  	_ = 	snop;
	(pc) =	sbr.rel @p1 .LBB2_71-.Ltmp53, $3  }
0x2a6: {  	_ =	sdelay $0x1  }
0x2a7: {  	s10 =	sadd.s32 $0x10, s10;
	[tilespmem:s11+$0x0] =	vst.add.f32.msk $0xffff, v1;
	s11 =	sadd.s32 $0x10, s11  }
0x2a8: {  	v1 =	vld [tilespmem:s10+$0x0]  }
0x2a9: {  	_ =	sdelay $0x3  }
0x2aa: {  	[tilespmem:s11+$0x0] =	vst.add.f32.msk $0xffff, v1  }
.LBB2_73:
0x2ab: {  	s0 =	smul.u32 $0x900, s2;
	_ =	sdelay $0x1  }
0x2ac: {  	[tilespmem:s2+$0x9918] =	vst.msk $0x1, v0;
	s0 =	sshra.s32 s0, $0x2  }
0x2ad: {  	s10 =	simm.s32 $0x0;
	s11 =	smov.u32 s3;
	v0 =	vld [tilespmem:s3+$0x0];
	s0 =	sadd.s32 $0x9938, s0  }
.LBB2_74:
0x2ae: {  	s10 =	sadd.s32 $0x10, s10  }
0x2af: {  	p1 =	slt.u32 s10, $0x230  }
.Ltmp54:
0x2b0: {  	_ = 	snop;
	(pc) =	sbr.rel @p1 .LBB2_74-.Ltmp54, $3  }
0x2b1: {  	_ =	sdelay $0x1  }
0x2b2: {  	s11 =	sadd.s32 $0x10, s11;
	[tilespmem:s0+$0x0] =	vst v0;
	s0 =	sadd.s32 $0x10, s0  }
0x2b3: {  	v0 =	vld [tilespmem:s11+$0x0]  }
.Ltmp55:
0x2b4: {  	_ = 	snop;
	(pc) =	sbr.rel .LBB2_76-.Ltmp55, $2  }
0x2b5: {  	_ =	sdelay $0x2  }
0x2b6: {  	s2 =	sadd.s32 $0x1, s2;
	[tilespmem:s0+$0x0] =	vst v0  }
.LBB2_77:
0x2b7: {  	p1 =	slt.s32 s2, $0x1  }
.Ltmp56:
0x2b8: {  	_ = 	snop;
	(pc) =	sbr.rel @p1 .LBB2_81-.Ltmp56, $3  }
0x2b9: {  	_ =	sdelay $0x1  }
0x2ba: {  	s0 =	simm.s32 $0x8  }
0x2bb: {  	s3 =	simm.s32 $0x0;
	[sflag:s0] =	ssyncpa.u1 $0x1  }
0x2bc: {  	s0 =	simm.s32 $0x9918  }
0x2bd: {  	v0 =	vld.msk [tilespmem:s0+$0x0], $0x1;
	_ =	sdelay $0x4  }
0x2be: {  	(v2sf) =	vpush v0, $0x0;
	_ =	sdelay $0xe  }
0x2bf: {  	s2 =	sadd.s32 $0xFFFFFFFF, s2;
	s5 =	spop (v2sf)  }
0x2c0: {  	s0 =	simm.s32 $0x9938;
	p2 =	sne.s32 s2, $0x0;
	p1 =	sgt.u32 s5, $0x16F8  }
0x2c1: {  	s4 =	sand.u32 @!p1 $0x1FF8, s5;
	s7 =	sadd.s32 @!p1 $0x80, s5;
	s8 =	sadd.s32 @!p1 $0x100, s5  }
0x2c2: {  	s6 =	sand.u32 @!p1 $0x7, s5;
	s4 =	sadd.s32 @!p1 s1, s4;
	s7 =	sand.u32 @!p1 $0x3FF8, s7  }
0x2c3: {  	[hbm4b:s4+s6] =	stream.linear.scatter @!p1 [tilespmem:s0], [sflag:$0x7], $0x80, $0x38;
	[tilespmem:$0x181E8] =	vst v63  }
0x2c4: {  	s8 =	sand.u32 @!p1 $0x3FF8, s8;
	s4 =	simm.s32 @!p1 $0x99B8;
	s7 =	sadd.s32 @!p1 s1, s7  }
0x2c5: {  	[hbm4b:s7+s6] =	stream.linear.scatter @!p1 [tilespmem:s4], [sflag:$0x7], $0x80, $0x38;
	[tilespmem:$0x181E8] =	vst v63  }
0x2c6: {  	s4 =	simm.s32 @!p1 $0x9A38;
	s7 =	sadd.s32 @!p1 s1, s8;
	s8 =	sadd.s32 @!p1 $0x180, s5  }
0x2c7: {  	[hbm4b:s7+s6] =	stream.linear.scatter @!p1 [tilespmem:s4], [sflag:$0x7], $0x80, $0x38;
	[tilespmem:$0x181E8] =	vst v63  }
.Ltmp57:
0x2c8: {  	s4 =	sand.u32 @!p1 $0x3FF8, s8;
	(pc) =	sbr.rel @!p2 .LBB2_80-.Ltmp57, $4  }
0x2c9: {  	s7 =	simm.s32 $0x0;
	s8 =	simm.s32 @!p1 $0x9AB8;
	s4 =	sadd.s32 @!p1 s1, s4  }
0x2ca: {  	[hbm4b:s4+s6] =	stream.linear.scatter @!p1 [tilespmem:s8], [sflag:$0x7], $0x80, $0x38;
	[tilespmem:$0x181E8] =	vst v63  }
0x2cb: {  	s7 =	simm.s32 @!p1 $0x900;
	s8 =	sadd.s32 @!p1 $0x200, s5  }
0x2cc: {  	s4 =	simm.s32 $0x9919;
	s5 =	simm.s32 $0x9B78;
	s8 =	sand.u32 @!p1 $0x3FF8, s8  }
.LBB2_79:
0x2cd: {  	s0 =	sadd.s32 @!p1 $0x200, s0;
	s8 =	sadd.s32 @!p1 s1, s8;
	s3 =	sadd.s32 s3, s7  }
0x2ce: {  	[hbm4b:s8+s6] =	stream.linear.scatter @!p1 [tilespmem:s0], [sflag:$0x7], $0x40, $0x38;
	[tilespmem:$0x181E8] =	vst v63  }
0x2cf: {  	s2 =	sadd.s32 $0xFFFFFFFF, s2;
	s0 =	smov.u32 s5;
	v0 =	vld.msk [tilespmem:s4+$0x0], $0x1  }
0x2d0: {  	p2 =	sne.s32 s2, $0x0;
	_ =	sdelay $0x3  }
0x2d1: {  	(v2sf) =	vpush v0, $0x0;
	_ =	sdelay $0xe  }
0x2d2: {  	s7 =	spop (v2sf)  }
0x2d3: {  	s5 =	sadd.s32 $0x240, s5;
	s4 =	sadd.s32 $0x1, s4;
	p1 =	sgt.u32 s7, $0x16F8  }
0x2d4: {  	s6 =	sand.u32 @!p1 $0x1FF8, s7;
	s8 =	sadd.s32 @!p1 $0x80, s7;
	s9 =	sadd.s32 @!p1 $0x100, s7  }
0x2d5: {  	s10 =	sadd.s32 @!p1 s1, s6;
	s6 =	sand.u32 @!p1 $0x7, s7;
	s8 =	sand.u32 @!p1 $0x3FF8, s8  }
0x2d6: {  	[hbm4b:s10+s6] =	stream.linear.scatter @!p1 [tilespmem:s0], [sflag:$0x7], $0x80, $0x38;
	[tilespmem:$0x181E8] =	vst v63  }
0x2d7: {  	s9 =	sand.u32 @!p1 $0x3FF8, s9;
	s10 =	sadd.s32 @!p1 $0x80, s0;
	s8 =	sadd.s32 @!p1 s1, s8  }
0x2d8: {  	[hbm4b:s8+s6] =	stream.linear.scatter @!p1 [tilespmem:s10], [sflag:$0x7], $0x80, $0x38;
	[tilespmem:$0x181E8] =	vst v63  }
0x2d9: {  	s9 =	sadd.s32 @!p1 s1, s9;
	s8 =	sadd.s32 @!p1 $0x100, s0;
	s10 =	sadd.s32 @!p1 $0x180, s7  }
0x2da: {  	[hbm4b:s9+s6] =	stream.linear.scatter @!p1 [tilespmem:s8], [sflag:$0x7], $0x80, $0x38;
	[tilespmem:$0x181E8] =	vst v63  }
.Ltmp58:
0x2db: {  	_ = 	snop;
	(pc) =	sbr.rel @p2 .LBB2_79-.Ltmp58, $4  }
0x2dc: {  	s9 =	sadd.s32 @!p1 $0x180, s0  }
0x2dd: {  	s8 =	sand.u32 @!p1 $0x3FF8, s10;
	s10 =	sadd.s32 @!p1 $0x200, s7;
	s7 =	simm.s32 $0x0  }
0x2de: {  	s7 =	simm.s32 @!p1 $0x900;
	s11 =	sadd.s32 @!p1 s1, s8;
	s8 =	sand.u32 @!p1 $0x3FF8, s10  }
0x2df: {  	[hbm4b:s11+s6] =	stream.linear.scatter @!p1 [tilespmem:s9], [sflag:$0x7], $0x80, $0x38;
	[tilespmem:$0x181E8] =	vst v63  }
.LBB2_80:
0x2e0: {  	s0 =	sadd.s32 @!p1 $0x200, s0;
	s1 =	sadd.s32 @!p1 s1, s8;
	s31 =	sadd.s32 s3, s7  }
0x2e1: {  	[hbm4b:s1+s6] =	stream.linear.scatter @!p1 [tilespmem:s0], [sflag:$0x7], $0x40, $0x38;
	[tilespmem:$0x181E8] =	vst v63  }
0x2e2: {  	s3 =	sshrl.u32 s31, $0x2  }
.LBB2_81:
0x2e3: {  	s0 =	simm.s32 $0x7  }
0x2e4: {  	_ =	swait.ge [sflag:s0], s3  }
0x2e5: {  	s1 =	ssub.s32 $0x0, s3;
	[sflag:s0] =	ssyncset.done $0x0  }
0x2e6: {  	[sflag:s0] =	ssyncadd.s32 s1  }
0x2e7: {  	[sflag:s0] =	ssyncpa.u1 $0x1  }
.LBB2_82:
0x2e8: {  	_ =	sfence;
	s0 =	simm.s32 $0x1  }
0x2e9: {  	[sflag:s0] =	ssyncpa.u1 $0x1  }
0x2ea: {  	_ =	strace $0x9000004A  }
0x2eb: {  	[bflag:$0x2] =	sbarrier.arrive $0xFFFF  }
0x2ec: {  	s0 =	rddreg [dreg:$0x4]  }
0x2ed: {  	s0 =	sadd.s32 @!p0 $0x100000, s0  }
0x2ee: {  	[sflag:s0] =	ssyncadd.tile.s32 @!p0 $0x1;
	_ =	shalt  }
.Lfunc_end2:
_tile_overlayer_lowered:
.L_overlay_start_2:
0x2ef: {  	(tag) =	ssettag $0x2  }
0x2f0: {  	s0 =	rddreg [dreg:$0x0];
	s2 =	stileid.u32  }
0x2f1: {  	s1 =	rddreg [dreg:$0x1];
	p0 =	sne.s32 s2, $0x0  }
0x2f2: {  	s3 =	rddreg [dreg:$0x2];
	[bflag:$0x3] =	sbarrier.arrive $0xFFFF;
	s2 =	simm.s32 @!p0 $0x1C01  }
0x2f3: {  	[timem:s3], [sflag:s2] =	dma.local @!p0 [hbm:s0], s1  }
0x2f4: {  	s0 =	simm.s32 @!p0 $0x1  }
0x2f5: {  	_ =	swait.ge @!p0 [sflag:s0], s1  }
0x2f6: {  	s1 =	ssub.s32 @!p0 $0x0, s1;
	[sflag:s0] =	ssyncset.done @!p0 $0x0  }
0x2f7: {  	[sflag:s0] =	ssyncadd.s32 @!p0 s1  }
0x2f8: {  	[bflag:$0x3] =	sbarrier.arrive $0xFFFF  }
0x2f9: {  	_ =	shalt  }

</sc_bundles>
